<compile_context>
chip_gen: v7x
topology: tpu7x:2x2x1
jax: 0.10.2.dev20260603
libtpu: 0.0.44.dev20260713+nightly
codegen_flags: <defaults>
</compile_context>

<pallas_src>
import functools

import jax
import jax.numpy as jnp
from jax import lax
from jax.experimental import pallas as pl
from jax.experimental.pallas import tpu as pltpu
from jax.experimental.pallas import tpu_sc as plsc

L = 16
CG = 32
SG = 128


def _make_sc_kernel(B, E, D, V):
    NS = 16
    DH = D // 2
    SPAN = E // NS
    NCH = SPAN // CG
    SLH = DH // L
    VR = V // NS
    NU = NCH * B

    mesh = plsc.VectorSubcoreMesh(core_axis_name="c", subcore_axis_name="s")

    @functools.partial(
        pl.kernel,
        out_type=jax.ShapeDtypeStruct((B * E, D), jnp.float32),
        mesh=mesh,
        scratch_types=[
            [pltpu.VMEM(((DH // SG) * CG,), jnp.int32) for _ in range(B)],
            pltpu.VMEM((2, CG, DH), jnp.float32),
            [pltpu.VMEM(((DH // SG) * CG, SG), jnp.float32) for _ in range(B)],
            pltpu.VMEM_SHARED(((DH // SG) * V, SG), jnp.float32),
            pltpu.SemaphoreType.DMA((2,)),
            pltpu.SemaphoreType.DMA((B,)),
            pltpu.SemaphoreType.DMA((B,)),
            pltpu.SemaphoreType.DMA((B,)),
        ],
    )
    def k(table_hbm, ids_hbm, pos_hbm, out_hbm,
          tmp_idx, pos_v, rows_v, table_sp, psem, isem, gsem, wsem):
        cid = lax.axis_index("c")
        sid = lax.axis_index("s")
        col0 = cid * DH
        p0 = sid * SPAN

        for g in range(DH // SG):
            pltpu.sync_copy(
                table_hbm.at[pl.ds(sid * VR, VR),
                             pl.ds(col0 + g * SG, SG)],
                table_sp.at[pl.ds(g * V + sid * VR, VR)])
        plsc.subcore_barrier()

        def issue_pos(pc, par):
            pltpu.async_copy(
                pos_hbm.at[pl.ds(p0 + pc * CG, CG), pl.ds(col0, DH)],
                pos_v.at[par], psem.at[par])

        def issue_gather(b):
            pltpu.async_copy(table_sp.at[tmp_idx[b]], rows_v[b],
                             gsem.at[b])

        def wait_gather(b):
            pltpu.make_async_copy(table_sp.at[tmp_idx[b]],
                                  rows_v[b],
                                  gsem.at[b]).wait()

        def issue_write(pc, b):
            for g in range(DH // SG):
                pltpu.async_copy(
                    rows_v[b].at[pl.ds(g * CG, CG)],
                    out_hbm.at[pl.ds(b * E + p0 + pc * CG, CG),
                               pl.ds(col0 + g * SG, SG)],
                    wsem.at[b])

        def wait_write(b):
            for g in range(DH // SG):
                pltpu.make_async_copy(
                    rows_v[b].at[pl.ds(g * CG, CG)],
                    out_hbm.at[pl.ds(0, CG), pl.ds(0, SG)],
                    wsem.at[b]).wait()

        issue_pos(0, 0)
        issue_pos(1, 1)
        for b in range(B):
            pltpu.sync_copy(ids_hbm.at[b, sid, 0], tmp_idx[b])
        for b in range(2):
            issue_gather(b)

        def chunk(pc, _):
            par = lax.rem(pc, 2)
            pltpu.make_async_copy(
                pos_hbm.at[pl.ds(0, CG), pl.ds(0, DH)],
                pos_v.at[par], psem.at[par]).wait()

            for b in range(B):
                u = pc * B + b
                wait_gather(b)
                @pl.when(u + 4 < NU)
                def _():
                    pltpu.async_copy(ids_hbm.at[b, sid, pc + 1],
                                     tmp_idx[b], isem.at[b])

                b2 = (b + 2) % B
                pc2 = pc + (b + 2) // B
                @pl.when(u + 2 < NU)
                def _():
                    @pl.when(u >= 2)
                    def _():
                        wait_write(b2)
                        pltpu.make_async_copy(
                            ids_hbm.at[0, 0, 0], tmp_idx[b2],
                            isem.at[b2]).wait()
                    issue_gather(b2)

                @functools.partial(plsc.parallel_loop, 0, CG, unroll=2)
                def _(r):
                    for g in range(DH // SG):
                        for s in range(SG // L):
                            plsc.addupdate(
                                rows_v[b].at[g * CG + r, pl.ds(s * L, L)],
                                pos_v[par, r, pl.ds(g * SG + s * L, L)],
                            )

                issue_write(pc, b)

            @pl.when(pc + 2 < NCH)
            def _():
                issue_pos(pc + 2, par)
            return 0

        lax.fori_loop(0, NCH, chunk, 0)

        for b in range(B):
            wait_write(b)

    return k


def kernel(input_ids, patch_table, position_embeddings):
    B, E = input_ids.shape
    V, D = patch_table.shape
    NS = 16
    ids4 = input_ids.reshape(B, NS, E // (NS * CG), 1, CG).astype(jnp.int32)
    segoff = (jnp.arange(D // 2 // 128, dtype=jnp.int32) * V)[None, None, None, :, None]
    ids4 = (ids4 + segoff).reshape(B, NS, E // (NS * CG), (D // 2 // 128) * CG)
    pos2d = position_embeddings.reshape(E, D)
    k = _make_sc_kernel(B, E, D, V)
    out2d = k(patch_table, ids4, pos2d)
    return out2d.reshape(B, E, D)

# --- scband reference (transcript-rebuilt; emitter-appended) ---
"""Pipeline reference for scband-fifty-emb-5574867550646 (READ-ONLY COPY).

The authoritative reference and input builder live on the scoring server;
editing this copy changes nothing except your own understanding.
"""

import jax, jax.numpy as jnp
import numpy as np

VOCAB = 512
EMB_NUM = 4096
HIDDEN = 1024
BATCH = 4

def setup_inputs(seed: int = 0) -> dict:
    key = jax.random.key(seed)
    k1, k2, k3 = jax.random.split(key, 3)
    input_ids = jax.random.randint(k1, (BATCH, EMB_NUM), 0, VOCAB, dtype=jnp.int64 if jax.config.jax_enable_x64 else jnp.int32).astype(jnp.int32)
    patch_table = jax.random.normal(k2, (VOCAB, HIDDEN), dtype=jnp.float32) * 0.02
    # nn.Parameter initialized to zeros in the torch module; keep zeros for fidelity
    position_embeddings = jnp.zeros((1, EMB_NUM, HIDDEN), dtype=jnp.float32)
    return {"input_ids": input_ids, "patch_table": patch_table, "position_embeddings": position_embeddings}

def reference(input_ids, patch_table, position_embeddings):
    # Embedding lookup: gather rows of the table
    embedding_output = jnp.take(patch_table, input_ids, axis=0)  # [B, emb_num, hidden]
    # Add learned position embeddings (broadcast over batch)
    embedding_output = embedding_output + position_embeddings
    return embedding_output

if __name__ == "__main__":
    import jax
    _d = setup_inputs()
    print(jax.jit(kernel)(*tuple(_d.values())))

</pallas_src>

<mosaic_0001>
#map = affine_map<(d0, d1) -> (0, 0)>
#map1 = affine_map<(d0, d1) -> (0, 0, 0, 0)>
module attributes {stable_mosaic.version = 14 : i64} {
  func.func @k(%arg0: i32, %arg1: i32, %arg2: memref<512x1024xf32, #tpu.memory_space<hbm>>, %arg3: memref<4x16x8x128xi32, #tpu.memory_space<hbm>>, %arg4: memref<4096x1024xf32, #tpu.memory_space<hbm>>, %arg5: memref<16384x1024xf32, #tpu.memory_space<hbm>>, %arg6: memref<128xi32, #tpu.memory_space<vmem>>, %arg7: memref<128xi32, #tpu.memory_space<vmem>>, %arg8: memref<128xi32, #tpu.memory_space<vmem>>, %arg9: memref<128xi32, #tpu.memory_space<vmem>>, %arg10: memref<2x32x512xf32, #tpu.memory_space<vmem>>, %arg11: memref<128x128xf32, #tpu.memory_space<vmem>>, %arg12: memref<128x128xf32, #tpu.memory_space<vmem>>, %arg13: memref<128x128xf32, #tpu.memory_space<vmem>>, %arg14: memref<128x128xf32, #tpu.memory_space<vmem>>, %arg15: memref<2048x128xf32, #tpu.memory_space<vmem_shared>>, %arg16: memref<2x!tpu.dma_semaphore, #tpu.memory_space<semaphore_mem>>, %arg17: memref<4x!tpu.dma_semaphore, #tpu.memory_space<semaphore_mem>>, %arg18: memref<4x!tpu.dma_semaphore, #tpu.memory_space<semaphore_mem>>, %arg19: memref<4x!tpu.dma_semaphore, #tpu.memory_space<semaphore_mem>>) attributes {dimension_semantics = [#tpu.dimension_semantics<core_parallel>, #tpu.dimension_semantics<subcore_parallel>], iteration_bounds = array<i64: 2, 16>, scalar_prefetch = 0 : i64, scratch_operands = 14 : i64, tpu.core_type = #tpu.core_type<sc_vector_subcore>, window_params = [{transform_indices = #map}, {transform_indices = #map1}, {transform_indices = #map}, {transform_indices = #map}]} {
    %mul3A = arith.constant 512 : i32
    %mul3A_0 = arith.muli %arg0, %mul3A : i32
    %mul3A_1 = arith.constant 256 : i32
    %mul3A_2 = arith.muli %arg1, %mul3A_1 : i32
    %mul3A_3 = arith.constant 32 : i32
    %mul3A_4 = arith.muli %arg1, %mul3A_3 : i32
    %add3A = arith.constant 0 : i32
    %add3A_5 = arith.addi %mul3A_0, %add3A : i32
    %mul3A_6 = arith.constant 32 : i32
    %mul3A_7 = arith.muli %arg1, %mul3A_6 : i32
    %add3A_8 = arith.constant 0 : i32
    %add3A_9 = arith.addi %add3A_8, %mul3A_7 : i32
    "tpu.region"() ({
      %run_scoped3A_329 = tpu.sem_alloc : memref<!tpu.dma_semaphore, #tpu.memory_space<semaphore_mem>>
      %dma_start3A_330 = arith.constant 0 : i32
      %dma_start3A_331 = tpu.memref_slice %arg15[%add3A_9, %dma_start3A_330] : memref<2048x128xf32, #tpu.memory_space<vmem_shared>> -> memref<32x128xf32, #tpu.memory_space<vmem_shared>>
      %dma_start3A_332 = tpu.memref_slice %arg2[%mul3A_4, %add3A_5] : memref<512x1024xf32, #tpu.memory_space<hbm>> -> memref<32x128xf32, #tpu.memory_space<hbm>>
      tpu.enqueue_dma source(%dma_start3A_332 : memref<32x128xf32, #tpu.memory_space<hbm>>) target(%dma_start3A_331 : memref<32x128xf32, #tpu.memory_space<vmem_shared>>) target_semaphore(%run_scoped3A_329 : memref<!tpu.dma_semaphore, #tpu.memory_space<semaphore_mem>>)
      %dma_wait3A_333 = arith.constant 0 : i32
      %dma_wait3A_334 = tpu.memref_slice %arg15[%add3A_9, %dma_wait3A_333] : memref<2048x128xf32, #tpu.memory_space<vmem_shared>> -> memref<32x128xf32, #tpu.memory_space<vmem_shared>>
      %dma_wait3A_335 = tpu.memref_slice %arg2[%mul3A_4, %add3A_5] : memref<512x1024xf32, #tpu.memory_space<hbm>> -> memref<32x128xf32, #tpu.memory_space<hbm>>
      tpu.wait_dma2 semaphore(%run_scoped3A_329 : memref<!tpu.dma_semaphore, #tpu.memory_space<semaphore_mem>>) src(%dma_wait3A_335 : memref<32x128xf32, #tpu.memory_space<hbm>>) dst(%dma_wait3A_334 : memref<32x128xf32, #tpu.memory_space<vmem_shared>>)
      tpu.yield
    }) : () -> ()
    %mul3A_10 = arith.constant 32 : i32
    %mul3A_11 = arith.muli %arg1, %mul3A_10 : i32
    %add3A_12 = arith.constant 128 : i32
    %add3A_13 = arith.addi %mul3A_0, %add3A_12 : i32
    %mul3A_14 = arith.constant 32 : i32
    %mul3A_15 = arith.muli %arg1, %mul3A_14 : i32
    %add3A_16 = arith.constant 512 : i32
    %add3A_17 = arith.addi %add3A_16, %mul3A_15 : i32
    "tpu.region"() ({
      %run_scoped3A_329 = tpu.sem_alloc : memref<!tpu.dma_semaphore, #tpu.memory_space<semaphore_mem>>
      %dma_start3A_330 = arith.constant 0 : i32
      %dma_start3A_331 = tpu.memref_slice %arg15[%add3A_17, %dma_start3A_330] : memref<2048x128xf32, #tpu.memory_space<vmem_shared>> -> memref<32x128xf32, #tpu.memory_space<vmem_shared>>
      %dma_start3A_332 = tpu.memref_slice %arg2[%mul3A_11, %add3A_13] : memref<512x1024xf32, #tpu.memory_space<hbm>> -> memref<32x128xf32, #tpu.memory_space<hbm>>
      tpu.enqueue_dma source(%dma_start3A_332 : memref<32x128xf32, #tpu.memory_space<hbm>>) target(%dma_start3A_331 : memref<32x128xf32, #tpu.memory_space<vmem_shared>>) target_semaphore(%run_scoped3A_329 : memref<!tpu.dma_semaphore, #tpu.memory_space<semaphore_mem>>)
      %dma_wait3A_333 = arith.constant 0 : i32
      %dma_wait3A_334 = tpu.memref_slice %arg15[%add3A_17, %dma_wait3A_333] : memref<2048x128xf32, #tpu.memory_space<vmem_shared>> -> memref<32x128xf32, #tpu.memory_space<vmem_shared>>
      %dma_wait3A_335 = tpu.memref_slice %arg2[%mul3A_11, %add3A_13] : memref<512x1024xf32, #tpu.memory_space<hbm>> -> memref<32x128xf32, #tpu.memory_space<hbm>>
      tpu.wait_dma2 semaphore(%run_scoped3A_329 : memref<!tpu.dma_semaphore, #tpu.memory_space<semaphore_mem>>) src(%dma_wait3A_335 : memref<32x128xf32, #tpu.memory_space<hbm>>) dst(%dma_wait3A_334 : memref<32x128xf32, #tpu.memory_space<vmem_shared>>)
      tpu.yield
    }) : () -> ()
    %mul3A_18 = arith.constant 32 : i32
    %mul3A_19 = arith.muli %arg1, %mul3A_18 : i32
    %add3A_20 = arith.constant 256 : i32
    %add3A_21 = arith.addi %mul3A_0, %add3A_20 : i32
    %mul3A_22 = arith.constant 32 : i32
    %mul3A_23 = arith.muli %arg1, %mul3A_22 : i32
    %add3A_24 = arith.constant 1024 : i32
    %add3A_25 = arith.addi %add3A_24, %mul3A_23 : i32
    "tpu.region"() ({
      %run_scoped3A_329 = tpu.sem_alloc : memref<!tpu.dma_semaphore, #tpu.memory_space<semaphore_mem>>
      %dma_start3A_330 = arith.constant 0 : i32
      %dma_start3A_331 = tpu.memref_slice %arg15[%add3A_25, %dma_start3A_330] : memref<2048x128xf32, #tpu.memory_space<vmem_shared>> -> memref<32x128xf32, #tpu.memory_space<vmem_shared>>
      %dma_start3A_332 = tpu.memref_slice %arg2[%mul3A_19, %add3A_21] : memref<512x1024xf32, #tpu.memory_space<hbm>> -> memref<32x128xf32, #tpu.memory_space<hbm>>
      tpu.enqueue_dma source(%dma_start3A_332 : memref<32x128xf32, #tpu.memory_space<hbm>>) target(%dma_start3A_331 : memref<32x128xf32, #tpu.memory_space<vmem_shared>>) target_semaphore(%run_scoped3A_329 : memref<!tpu.dma_semaphore, #tpu.memory_space<semaphore_mem>>)
      %dma_wait3A_333 = arith.constant 0 : i32
      %dma_wait3A_334 = tpu.memref_slice %arg15[%add3A_25, %dma_wait3A_333] : memref<2048x128xf32, #tpu.memory_space<vmem_shared>> -> memref<32x128xf32, #tpu.memory_space<vmem_shared>>
      %dma_wait3A_335 = tpu.memref_slice %arg2[%mul3A_19, %add3A_21] : memref<512x1024xf32, #tpu.memory_space<hbm>> -> memref<32x128xf32, #tpu.memory_space<hbm>>
      tpu.wait_dma2 semaphore(%run_scoped3A_329 : memref<!tpu.dma_semaphore, #tpu.memory_space<semaphore_mem>>) src(%dma_wait3A_335 : memref<32x128xf32, #tpu.memory_space<hbm>>) dst(%dma_wait3A_334 : memref<32x128xf32, #tpu.memory_space<vmem_shared>>)
      tpu.yield
    }) : () -> ()
    %mul3A_26 = arith.constant 32 : i32
    %mul3A_27 = arith.muli %arg1, %mul3A_26 : i32
    %add3A_28 = arith.constant 384 : i32
    %add3A_29 = arith.addi %mul3A_0, %add3A_28 : i32
    %mul3A_30 = arith.constant 32 : i32
    %mul3A_31 = arith.muli %arg1, %mul3A_30 : i32
    %add3A_32 = arith.constant 1536 : i32
    %add3A_33 = arith.addi %add3A_32, %mul3A_31 : i32
    "tpu.region"() ({
      %run_scoped3A_329 = tpu.sem_alloc : memref<!tpu.dma_semaphore, #tpu.memory_space<semaphore_mem>>
      %dma_start3A_330 = arith.constant 0 : i32
      %dma_start3A_331 = tpu.memref_slice %arg15[%add3A_33, %dma_start3A_330] : memref<2048x128xf32, #tpu.memory_space<vmem_shared>> -> memref<32x128xf32, #tpu.memory_space<vmem_shared>>
      %dma_start3A_332 = tpu.memref_slice %arg2[%mul3A_27, %add3A_29] : memref<512x1024xf32, #tpu.memory_space<hbm>> -> memref<32x128xf32, #tpu.memory_space<hbm>>
      tpu.enqueue_dma source(%dma_start3A_332 : memref<32x128xf32, #tpu.memory_space<hbm>>) target(%dma_start3A_331 : memref<32x128xf32, #tpu.memory_space<vmem_shared>>) target_semaphore(%run_scoped3A_329 : memref<!tpu.dma_semaphore, #tpu.memory_space<semaphore_mem>>)
      %dma_wait3A_333 = arith.constant 0 : i32
      %dma_wait3A_334 = tpu.memref_slice %arg15[%add3A_33, %dma_wait3A_333] : memref<2048x128xf32, #tpu.memory_space<vmem_shared>> -> memref<32x128xf32, #tpu.memory_space<vmem_shared>>
      %dma_wait3A_335 = tpu.memref_slice %arg2[%mul3A_27, %add3A_29] : memref<512x1024xf32, #tpu.memory_space<hbm>> -> memref<32x128xf32, #tpu.memory_space<hbm>>
      tpu.wait_dma2 semaphore(%run_scoped3A_329 : memref<!tpu.dma_semaphore, #tpu.memory_space<semaphore_mem>>) src(%dma_wait3A_335 : memref<32x128xf32, #tpu.memory_space<hbm>>) dst(%dma_wait3A_334 : memref<32x128xf32, #tpu.memory_space<vmem_shared>>)
      tpu.yield
    }) : () -> ()
    %barrier3A = arith.constant 0 : index
    tpu.barrier barrier_id(%barrier3A)
    %add3A_34 = arith.constant 0 : i32
    %add3A_35 = arith.addi %mul3A_2, %add3A_34 : i32
    %dma_start3A = arith.constant 0 : i32
    %dma_start3A_36 = arith.constant 0 : i32
    %dma_start3A_37 = arith.constant 0 : i32
    %dma_start3A_38 = arith.constant 0 : i32
    %dma_start3A_39 = tpu.memref_slice %arg10[%dma_start3A, %dma_start3A_37, %dma_start3A_38] : memref<2x32x512xf32, #tpu.memory_space<vmem>> -> memref<1x32x512xf32, #tpu.memory_space<vmem>>
    %dma_start3A_40 = tpu.memref_squeeze %dma_start3A_39 : memref<1x32x512xf32, #tpu.memory_space<vmem>> -> memref<32x512xf32, #tpu.memory_space<vmem>>
    %dma_start3A_41 = tpu.memref_slice %arg4[%add3A_35, %mul3A_0] : memref<4096x1024xf32, #tpu.memory_space<hbm>> -> memref<32x512xf32, #tpu.memory_space<hbm>>
    %dma_start3A_42 = tpu.memref_slice %arg16[%dma_start3A_36] : memref<2x!tpu.dma_semaphore, #tpu.memory_space<semaphore_mem>> -> memref<1x!tpu.dma_semaphore, #tpu.memory_space<semaphore_mem>>
    %dma_start3A_43 = tpu.memref_squeeze %dma_start3A_42 : memref<1x!tpu.dma_semaphore, #tpu.memory_space<semaphore_mem>> -> memref<!tpu.dma_semaphore, #tpu.memory_space<semaphore_mem>>
    %dma_start3A_44 = arith.constant 0 : i32
    %dma_start3A_45 = arith.constant 0 : i32
    %dma_start3A_46 = tpu.memref_slice %arg10[%dma_start3A, %dma_start3A_44, %dma_start3A_45] : memref<2x32x512xf32, #tpu.memory_space<vmem>> -> memref<1x32x512xf32, #tpu.memory_space<vmem>>
    %dma_start3A_47 = tpu.memref_squeeze %dma_start3A_46 : memref<1x32x512xf32, #tpu.memory_space<vmem>> -> memref<32x512xf32, #tpu.memory_space<vmem>>
    %dma_start3A_48 = tpu.memref_slice %arg4[%add3A_35, %mul3A_0] : memref<4096x1024xf32, #tpu.memory_space<hbm>> -> memref<32x512xf32, #tpu.memory_space<hbm>>
    tpu.enqueue_dma source(%dma_start3A_48 : memref<32x512xf32, #tpu.memory_space<hbm>>) target(%dma_start3A_47 : memref<32x512xf32, #tpu.memory_space<vmem>>) target_semaphore(%dma_start3A_43 : memref<!tpu.dma_semaphore, #tpu.memory_space<semaphore_mem>>)
    %add3A_49 = arith.constant 32 : i32
    %add3A_50 = arith.addi %mul3A_2, %add3A_49 : i32
    %dma_start3A_51 = arith.constant 1 : i32
    %dma_start3A_52 = arith.constant 1 : i32
    %dma_start3A_53 = arith.constant 0 : i32
    %dma_start3A_54 = arith.constant 0 : i32
    %dma_start3A_55 = tpu.memref_slice %arg10[%dma_start3A_51, %dma_start3A_53, %dma_start3A_54] : memref<2x32x512xf32, #tpu.memory_space<vmem>> -> memref<1x32x512xf32, #tpu.memory_space<vmem>>
    %dma_start3A_56 = tpu.memref_squeeze %dma_start3A_55 : memref<1x32x512xf32, #tpu.memory_space<vmem>> -> memref<32x512xf32, #tpu.memory_space<vmem>>
    %dma_start3A_57 = tpu.memref_slice %arg4[%add3A_50, %mul3A_0] : memref<4096x1024xf32, #tpu.memory_space<hbm>> -> memref<32x512xf32, #tpu.memory_space<hbm>>
    %dma_start3A_58 = tpu.memref_slice %arg16[%dma_start3A_52] : memref<2x!tpu.dma_semaphore, #tpu.memory_space<semaphore_mem>> -> memref<1x!tpu.dma_semaphore, #tpu.memory_space<semaphore_mem>>
    %dma_start3A_59 = tpu.memref_squeeze %dma_start3A_58 : memref<1x!tpu.dma_semaphore, #tpu.memory_space<semaphore_mem>> -> memref<!tpu.dma_semaphore, #tpu.memory_space<semaphore_mem>>
    %dma_start3A_60 = arith.constant 0 : i32
    %dma_start3A_61 = arith.constant 0 : i32
    %dma_start3A_62 = tpu.memref_slice %arg10[%dma_start3A_51, %dma_start3A_60, %dma_start3A_61] : memref<2x32x512xf32, #tpu.memory_space<vmem>> -> memref<1x32x512xf32, #tpu.memory_space<vmem>>
    %dma_start3A_63 = tpu.memref_squeeze %dma_start3A_62 : memref<1x32x512xf32, #tpu.memory_space<vmem>> -> memref<32x512xf32, #tpu.memory_space<vmem>>
    %dma_start3A_64 = tpu.memref_slice %arg4[%add3A_50, %mul3A_0] : memref<4096x1024xf32, #tpu.memory_space<hbm>> -> memref<32x512xf32, #tpu.memory_space<hbm>>
    tpu.enqueue_dma source(%dma_start3A_64 : memref<32x512xf32, #tpu.memory_space<hbm>>) target(%dma_start3A_63 : memref<32x512xf32, #tpu.memory_space<vmem>>) target_semaphore(%dma_start3A_59 : memref<!tpu.dma_semaphore, #tpu.memory_space<semaphore_mem>>)
    %run_scoped3A = arith.constant 0 : i32
    %run_scoped3A_65 = arith.constant 0 : i32
    "tpu.region"() ({
      %run_scoped3A_329 = tpu.sem_alloc : memref<!tpu.dma_semaphore, #tpu.memory_space<semaphore_mem>>
      %dma_start3A_330 = arith.constant 0 : i32
      %dma_start3A_331 = tpu.memref_slice %arg3[%run_scoped3A, %arg1, %run_scoped3A_65, %dma_start3A_330] : memref<4x16x8x128xi32, #tpu.memory_space<hbm>> -> memref<1x1x1x128xi32, #tpu.memory_space<hbm>>
      %dma_start3A_332 = tpu.memref_squeeze %dma_start3A_331 : memref<1x1x1x128xi32, #tpu.memory_space<hbm>> -> memref<128xi32, #tpu.memory_space<hbm>>
      %dma_start3A_333 = arith.constant 0 : i32
      %dma_start3A_334 = tpu.memref_slice %arg3[%run_scoped3A, %arg1, %run_scoped3A_65, %dma_start3A_333] : memref<4x16x8x128xi32, #tpu.memory_space<hbm>> -> memref<1x1x1x128xi32, #tpu.memory_space<hbm>>
      %dma_start3A_335 = tpu.memref_squeeze %dma_start3A_334 : memref<1x1x1x128xi32, #tpu.memory_space<hbm>> -> memref<128xi32, #tpu.memory_space<hbm>>
      tpu.enqueue_dma source(%dma_start3A_335 : memref<128xi32, #tpu.memory_space<hbm>>) target(%arg6 : memref<128xi32, #tpu.memory_space<vmem>>) target_semaphore(%run_scoped3A_329 : memref<!tpu.dma_semaphore, #tpu.memory_space<semaphore_mem>>)
      %dma_wait3A_336 = arith.constant 0 : i32
      %dma_wait3A_337 = tpu.memref_slice %arg3[%run_scoped3A, %arg1, %run_scoped3A_65, %dma_wait3A_336] : memref<4x16x8x128xi32, #tpu.memory_space<hbm>> -> memref<1x1x1x128xi32, #tpu.memory_space<hbm>>
      %dma_wait3A_338 = tpu.memref_squeeze %dma_wait3A_337 : memref<1x1x1x128xi32, #tpu.memory_space<hbm>> -> memref<128xi32, #tpu.memory_space<hbm>>
      %dma_wait3A_339 = arith.constant 0 : i32
      %dma_wait3A_340 = tpu.memref_slice %arg3[%run_scoped3A, %arg1, %run_scoped3A_65, %dma_wait3A_339] : memref<4x16x8x128xi32, #tpu.memory_space<hbm>> -> memref<1x1x1x128xi32, #tpu.memory_space<hbm>>
      %dma_wait3A_341 = tpu.memref_squeeze %dma_wait3A_340 : memref<1x1x1x128xi32, #tpu.memory_space<hbm>> -> memref<128xi32, #tpu.memory_space<hbm>>
      tpu.wait_dma2 semaphore(%run_scoped3A_329 : memref<!tpu.dma_semaphore, #tpu.memory_space<semaphore_mem>>) src(%dma_wait3A_341 : memref<128xi32, #tpu.memory_space<hbm>>) dst(%arg6 : memref<128xi32, #tpu.memory_space<vmem>>)
      tpu.yield
    }) : () -> ()
    %run_scoped3A_66 = arith.constant 1 : i32
    %run_scoped3A_67 = arith.constant 0 : i32
    "tpu.region"() ({
      %run_scoped3A_329 = tpu.sem_alloc : memref<!tpu.dma_semaphore, #tpu.memory_space<semaphore_mem>>
      %dma_start3A_330 = arith.constant 0 : i32
      %dma_start3A_331 = tpu.memref_slice %arg3[%run_scoped3A_66, %arg1, %run_scoped3A_67, %dma_start3A_330] : memref<4x16x8x128xi32, #tpu.memory_space<hbm>> -> memref<1x1x1x128xi32, #tpu.memory_space<hbm>>
      %dma_start3A_332 = tpu.memref_squeeze %dma_start3A_331 : memref<1x1x1x128xi32, #tpu.memory_space<hbm>> -> memref<128xi32, #tpu.memory_space<hbm>>
      %dma_start3A_333 = arith.constant 0 : i32
      %dma_start3A_334 = tpu.memref_slice %arg3[%run_scoped3A_66, %arg1, %run_scoped3A_67, %dma_start3A_333] : memref<4x16x8x128xi32, #tpu.memory_space<hbm>> -> memref<1x1x1x128xi32, #tpu.memory_space<hbm>>
      %dma_start3A_335 = tpu.memref_squeeze %dma_start3A_334 : memref<1x1x1x128xi32, #tpu.memory_space<hbm>> -> memref<128xi32, #tpu.memory_space<hbm>>
      tpu.enqueue_dma source(%dma_start3A_335 : memref<128xi32, #tpu.memory_space<hbm>>) target(%arg7 : memref<128xi32, #tpu.memory_space<vmem>>) target_semaphore(%run_scoped3A_329 : memref<!tpu.dma_semaphore, #tpu.memory_space<semaphore_mem>>)
      %dma_wait3A_336 = arith.constant 0 : i32
      %dma_wait3A_337 = tpu.memref_slice %arg3[%run_scoped3A_66, %arg1, %run_scoped3A_67, %dma_wait3A_336] : memref<4x16x8x128xi32, #tpu.memory_space<hbm>> -> memref<1x1x1x128xi32, #tpu.memory_space<hbm>>
      %dma_wait3A_338 = tpu.memref_squeeze %dma_wait3A_337 : memref<1x1x1x128xi32, #tpu.memory_space<hbm>> -> memref<128xi32, #tpu.memory_space<hbm>>
      %dma_wait3A_339 = arith.constant 0 : i32
      %dma_wait3A_340 = tpu.memref_slice %arg3[%run_scoped3A_66, %arg1, %run_scoped3A_67, %dma_wait3A_339] : memref<4x16x8x128xi32, #tpu.memory_space<hbm>> -> memref<1x1x1x128xi32, #tpu.memory_space<hbm>>
      %dma_wait3A_341 = tpu.memref_squeeze %dma_wait3A_340 : memref<1x1x1x128xi32, #tpu.memory_space<hbm>> -> memref<128xi32, #tpu.memory_space<hbm>>
      tpu.wait_dma2 semaphore(%run_scoped3A_329 : memref<!tpu.dma_semaphore, #tpu.memory_space<semaphore_mem>>) src(%dma_wait3A_341 : memref<128xi32, #tpu.memory_space<hbm>>) dst(%arg7 : memref<128xi32, #tpu.memory_space<vmem>>)
      tpu.yield
    }) : () -> ()
    %run_scoped3A_68 = arith.constant 2 : i32
    %run_scoped3A_69 = arith.constant 0 : i32
    "tpu.region"() ({
      %run_scoped3A_329 = tpu.sem_alloc : memref<!tpu.dma_semaphore, #tpu.memory_space<semaphore_mem>>
      %dma_start3A_330 = arith.constant 0 : i32
      %dma_start3A_331 = tpu.memref_slice %arg3[%run_scoped3A_68, %arg1, %run_scoped3A_69, %dma_start3A_330] : memref<4x16x8x128xi32, #tpu.memory_space<hbm>> -> memref<1x1x1x128xi32, #tpu.memory_space<hbm>>
      %dma_start3A_332 = tpu.memref_squeeze %dma_start3A_331 : memref<1x1x1x128xi32, #tpu.memory_space<hbm>> -> memref<128xi32, #tpu.memory_space<hbm>>
      %dma_start3A_333 = arith.constant 0 : i32
      %dma_start3A_334 = tpu.memref_slice %arg3[%run_scoped3A_68, %arg1, %run_scoped3A_69, %dma_start3A_333] : memref<4x16x8x128xi32, #tpu.memory_space<hbm>> -> memref<1x1x1x128xi32, #tpu.memory_space<hbm>>
      %dma_start3A_335 = tpu.memref_squeeze %dma_start3A_334 : memref<1x1x1x128xi32, #tpu.memory_space<hbm>> -> memref<128xi32, #tpu.memory_space<hbm>>
      tpu.enqueue_dma source(%dma_start3A_335 : memref<128xi32, #tpu.memory_space<hbm>>) target(%arg8 : memref<128xi32, #tpu.memory_space<vmem>>) target_semaphore(%run_scoped3A_329 : memref<!tpu.dma_semaphore, #tpu.memory_space<semaphore_mem>>)
      %dma_wait3A_336 = arith.constant 0 : i32
      %dma_wait3A_337 = tpu.memref_slice %arg3[%run_scoped3A_68, %arg1, %run_scoped3A_69, %dma_wait3A_336] : memref<4x16x8x128xi32, #tpu.memory_space<hbm>> -> memref<1x1x1x128xi32, #tpu.memory_space<hbm>>
      %dma_wait3A_338 = tpu.memref_squeeze %dma_wait3A_337 : memref<1x1x1x128xi32, #tpu.memory_space<hbm>> -> memref<128xi32, #tpu.memory_space<hbm>>
      %dma_wait3A_339 = arith.constant 0 : i32
      %dma_wait3A_340 = tpu.memref_slice %arg3[%run_scoped3A_68, %arg1, %run_scoped3A_69, %dma_wait3A_339] : memref<4x16x8x128xi32, #tpu.memory_space<hbm>> -> memref<1x1x1x128xi32, #tpu.memory_space<hbm>>
      %dma_wait3A_341 = tpu.memref_squeeze %dma_wait3A_340 : memref<1x1x1x128xi32, #tpu.memory_space<hbm>> -> memref<128xi32, #tpu.memory_space<hbm>>
      tpu.wait_dma2 semaphore(%run_scoped3A_329 : memref<!tpu.dma_semaphore, #tpu.memory_space<semaphore_mem>>) src(%dma_wait3A_341 : memref<128xi32, #tpu.memory_space<hbm>>) dst(%arg8 : memref<128xi32, #tpu.memory_space<vmem>>)
      tpu.yield
    }) : () -> ()
    %run_scoped3A_70 = arith.constant 3 : i32
    %run_scoped3A_71 = arith.constant 0 : i32
    "tpu.region"() ({
      %run_scoped3A_329 = tpu.sem_alloc : memref<!tpu.dma_semaphore, #tpu.memory_space<semaphore_mem>>
      %dma_start3A_330 = arith.constant 0 : i32
      %dma_start3A_331 = tpu.memref_slice %arg3[%run_scoped3A_70, %arg1, %run_scoped3A_71, %dma_start3A_330] : memref<4x16x8x128xi32, #tpu.memory_space<hbm>> -> memref<1x1x1x128xi32, #tpu.memory_space<hbm>>
      %dma_start3A_332 = tpu.memref_squeeze %dma_start3A_331 : memref<1x1x1x128xi32, #tpu.memory_space<hbm>> -> memref<128xi32, #tpu.memory_space<hbm>>
      %dma_start3A_333 = arith.constant 0 : i32
      %dma_start3A_334 = tpu.memref_slice %arg3[%run_scoped3A_70, %arg1, %run_scoped3A_71, %dma_start3A_333] : memref<4x16x8x128xi32, #tpu.memory_space<hbm>> -> memref<1x1x1x128xi32, #tpu.memory_space<hbm>>
      %dma_start3A_335 = tpu.memref_squeeze %dma_start3A_334 : memref<1x1x1x128xi32, #tpu.memory_space<hbm>> -> memref<128xi32, #tpu.memory_space<hbm>>
      tpu.enqueue_dma source(%dma_start3A_335 : memref<128xi32, #tpu.memory_space<hbm>>) target(%arg9 : memref<128xi32, #tpu.memory_space<vmem>>) target_semaphore(%run_scoped3A_329 : memref<!tpu.dma_semaphore, #tpu.memory_space<semaphore_mem>>)
      %dma_wait3A_336 = arith.constant 0 : i32
      %dma_wait3A_337 = tpu.memref_slice %arg3[%run_scoped3A_70, %arg1, %run_scoped3A_71, %dma_wait3A_336] : memref<4x16x8x128xi32, #tpu.memory_space<hbm>> -> memref<1x1x1x128xi32, #tpu.memory_space<hbm>>
      %dma_wait3A_338 = tpu.memref_squeeze %dma_wait3A_337 : memref<1x1x1x128xi32, #tpu.memory_space<hbm>> -> memref<128xi32, #tpu.memory_space<hbm>>
      %dma_wait3A_339 = arith.constant 0 : i32
      %dma_wait3A_340 = tpu.memref_slice %arg3[%run_scoped3A_70, %arg1, %run_scoped3A_71, %dma_wait3A_339] : memref<4x16x8x128xi32, #tpu.memory_space<hbm>> -> memref<1x1x1x128xi32, #tpu.memory_space<hbm>>
      %dma_wait3A_341 = tpu.memref_squeeze %dma_wait3A_340 : memref<1x1x1x128xi32, #tpu.memory_space<hbm>> -> memref<128xi32, #tpu.memory_space<hbm>>
      tpu.wait_dma2 semaphore(%run_scoped3A_329 : memref<!tpu.dma_semaphore, #tpu.memory_space<semaphore_mem>>) src(%dma_wait3A_341 : memref<128xi32, #tpu.memory_space<hbm>>) dst(%arg9 : memref<128xi32, #tpu.memory_space<vmem>>)
      tpu.yield
    }) : () -> ()
    %dma_start3A_72 = arith.constant 0 : i32
    %dma_start3A_73 = arith.constant 0 : i32
    %dma_start3A_74 = arith.constant 0 : i32
    %dma_start3A_75 = tpu.memref_slice %arg15[%dma_start3A_73, %dma_start3A_74] : memref<2048x128xf32, #tpu.memory_space<vmem_shared>> -> memref<2048x128xf32, #tpu.memory_space<vmem_shared>>
    %dma_start3A_76 = tpu.memref_slice %arg18[%dma_start3A_72] : memref<4x!tpu.dma_semaphore, #tpu.memory_space<semaphore_mem>> -> memref<1x!tpu.dma_semaphore, #tpu.memory_space<semaphore_mem>>
    %dma_start3A_77 = tpu.memref_squeeze %dma_start3A_76 : memref<1x!tpu.dma_semaphore, #tpu.memory_space<semaphore_mem>> -> memref<!tpu.dma_semaphore, #tpu.memory_space<semaphore_mem>>
    tpu.enqueue_indirect_dma source(%dma_start3A_75 : memref<2048x128xf32, #tpu.memory_space<vmem_shared>>) target(%arg11 : memref<128x128xf32, #tpu.memory_space<vmem>>) offsets(%arg6 : memref<128xi32, #tpu.memory_space<vmem>>) semaphore(%dma_start3A_77 : memref<!tpu.dma_semaphore, #tpu.memory_space<semaphore_mem>>)
    %dma_start3A_78 = arith.constant 1 : i32
    %dma_start3A_79 = arith.constant 0 : i32
    %dma_start3A_80 = arith.constant 0 : i32
    %dma_start3A_81 = tpu.memref_slice %arg15[%dma_start3A_79, %dma_start3A_80] : memref<2048x128xf32, #tpu.memory_space<vmem_shared>> -> memref<2048x128xf32, #tpu.memory_space<vmem_shared>>
    %dma_start3A_82 = tpu.memref_slice %arg18[%dma_start3A_78] : memref<4x!tpu.dma_semaphore, #tpu.memory_space<semaphore_mem>> -> memref<1x!tpu.dma_semaphore, #tpu.memory_space<semaphore_mem>>
    %dma_start3A_83 = tpu.memref_squeeze %dma_start3A_82 : memref<1x!tpu.dma_semaphore, #tpu.memory_space<semaphore_mem>> -> memref<!tpu.dma_semaphore, #tpu.memory_space<semaphore_mem>>
    tpu.enqueue_indirect_dma source(%dma_start3A_81 : memref<2048x128xf32, #tpu.memory_space<vmem_shared>>) target(%arg12 : memref<128x128xf32, #tpu.memory_space<vmem>>) offsets(%arg7 : memref<128xi32, #tpu.memory_space<vmem>>) semaphore(%dma_start3A_83 : memref<!tpu.dma_semaphore, #tpu.memory_space<semaphore_mem>>)
    %scan3A = arith.constant 0 : i32
    %scan3A_84 = arith.constant 0 : i32
    %scan3A_85 = arith.constant 8 : i32
    %scan3A_86 = arith.addi %scan3A_84, %scan3A_85 : i32
    %scan3A_87 = arith.constant 1 : i32
    %scan3A_88 = scf.for %scan3A_329 = %scan3A_84 to %scan3A_86 step %scan3A_87 iter_args(%scan3A_330 = %scan3A) -> (i32)  : i32 {
      %rem3A = arith.constant 2 : i32
      %rem3A_331 = arith.remsi %scan3A_329, %rem3A : i32
      %dma_wait3A_332 = arith.constant 0 : i32
      %dma_wait3A_333 = arith.constant 0 : i32
      %dma_wait3A_334 = tpu.memref_slice %arg10[%rem3A_331, %dma_wait3A_332, %dma_wait3A_333] : memref<2x32x512xf32, #tpu.memory_space<vmem>> -> memref<1x32x512xf32, #tpu.memory_space<vmem>>
      %dma_wait3A_335 = tpu.memref_squeeze %dma_wait3A_334 : memref<1x32x512xf32, #tpu.memory_space<vmem>> -> memref<32x512xf32, #tpu.memory_space<vmem>>
      %dma_wait3A_336 = arith.constant 0 : i32
      %dma_wait3A_337 = arith.constant 0 : i32
      %dma_wait3A_338 = tpu.memref_slice %arg4[%dma_wait3A_336, %dma_wait3A_337] : memref<4096x1024xf32, #tpu.memory_space<hbm>> -> memref<32x512xf32, #tpu.memory_space<hbm>>
      %dma_wait3A_339 = tpu.memref_slice %arg16[%rem3A_331] : memref<2x!tpu.dma_semaphore, #tpu.memory_space<semaphore_mem>> -> memref<1x!tpu.dma_semaphore, #tpu.memory_space<semaphore_mem>>
      %dma_wait3A_340 = tpu.memref_squeeze %dma_wait3A_339 : memref<1x!tpu.dma_semaphore, #tpu.memory_space<semaphore_mem>> -> memref<!tpu.dma_semaphore, #tpu.memory_space<semaphore_mem>>
      %dma_wait3A_341 = arith.constant 0 : i32
      %dma_wait3A_342 = arith.constant 0 : i32
      %dma_wait3A_343 = tpu.memref_slice %arg10[%rem3A_331, %dma_wait3A_341, %dma_wait3A_342] : memref<2x32x512xf32, #tpu.memory_space<vmem>> -> memref<1x32x512xf32, #tpu.memory_space<vmem>>
      %dma_wait3A_344 = tpu.memref_squeeze %dma_wait3A_343 : memref<1x32x512xf32, #tpu.memory_space<vmem>> -> memref<32x512xf32, #tpu.memory_space<vmem>>
      %dma_wait3A_345 = arith.constant 0 : i32
      %dma_wait3A_346 = arith.constant 0 : i32
      %dma_wait3A_347 = tpu.memref_slice %arg4[%dma_wait3A_345, %dma_wait3A_346] : memref<4096x1024xf32, #tpu.memory_space<hbm>> -> memref<32x512xf32, #tpu.memory_space<hbm>>
      tpu.wait_dma2 semaphore(%dma_wait3A_340 : memref<!tpu.dma_semaphore, #tpu.memory_space<semaphore_mem>>) src(%dma_wait3A_347 : memref<32x512xf32, #tpu.memory_space<hbm>>) dst(%dma_wait3A_344 : memref<32x512xf32, #tpu.memory_space<vmem>>)
      %mul3A_348 = arith.constant 4 : i32
      %mul3A_349 = arith.muli %scan3A_329, %mul3A_348 : i32
      %add3A_350 = arith.constant 0 : i32
      %add3A_351 = arith.addi %mul3A_349, %add3A_350 : i32
      %dma_wait3A_352 = arith.constant 0 : i32
      %dma_wait3A_353 = arith.constant 0 : i32
      %dma_wait3A_354 = arith.constant 0 : i32
      %dma_wait3A_355 = tpu.memref_slice %arg15[%dma_wait3A_353, %dma_wait3A_354] : memref<2048x128xf32, #tpu.memory_space<vmem_shared>> -> memref<2048x128xf32, #tpu.memory_space<vmem_shared>>
      %dma_wait3A_356 = tpu.memref_slice %arg18[%dma_wait3A_352] : memref<4x!tpu.dma_semaphore, #tpu.memory_space<semaphore_mem>> -> memref<1x!tpu.dma_semaphore, #tpu.memory_space<semaphore_mem>>
      %dma_wait3A_357 = tpu.memref_squeeze %dma_wait3A_356 : memref<1x!tpu.dma_semaphore, #tpu.memory_space<semaphore_mem>> -> memref<!tpu.dma_semaphore, #tpu.memory_space<semaphore_mem>>
      tpu.wait_indirect_dma semaphore(%dma_wait3A_357 : memref<!tpu.dma_semaphore, #tpu.memory_space<semaphore_mem>>) src(%dma_wait3A_355 : memref<2048x128xf32, #tpu.memory_space<vmem_shared>>) dst(%arg11 : memref<128x128xf32, #tpu.memory_space<vmem>>)
      %add3A_358 = arith.constant 4 : i32
      %add3A_359 = arith.addi %add3A_351, %add3A_358 : i32
      %lt3A = arith.constant 32 : i32
      %lt3A_360 = arith.cmpi slt, %add3A_359, %lt3A : i32
      %convert_element_type3A = arith.extui %lt3A_360 : i1 to i32
      %cond3A = arith.constant 0 : i32
      %cond3A_361 = arith.cmpi ne, %convert_element_type3A, %cond3A : i32
      scf.if %cond3A_361 {
        %add3A_745 = arith.constant 1 : i32
        %add3A_746 = arith.addi %scan3A_329, %add3A_745 : i32
        %dma_start3A_747 = arith.constant 0 : i32
        %dma_start3A_748 = arith.constant 0 : i32
        %dma_start3A_749 = arith.constant 0 : i32
        %dma_start3A_750 = tpu.memref_slice %arg3[%dma_start3A_747, %arg1, %add3A_746, %dma_start3A_749] : memref<4x16x8x128xi32, #tpu.memory_space<hbm>> -> memref<1x1x1x128xi32, #tpu.memory_space<hbm>>
        %dma_start3A_751 = tpu.memref_squeeze %dma_start3A_750 : memref<1x1x1x128xi32, #tpu.memory_space<hbm>> -> memref<128xi32, #tpu.memory_space<hbm>>
        %dma_start3A_752 = tpu.memref_slice %arg17[%dma_start3A_748] : memref<4x!tpu.dma_semaphore, #tpu.memory_space<semaphore_mem>> -> memref<1x!tpu.dma_semaphore, #tpu.memory_space<semaphore_mem>>
        %dma_start3A_753 = tpu.memref_squeeze %dma_start3A_752 : memref<1x!tpu.dma_semaphore, #tpu.memory_space<semaphore_mem>> -> memref<!tpu.dma_semaphore, #tpu.memory_space<semaphore_mem>>
        %dma_start3A_754 = arith.constant 0 : i32
        %dma_start3A_755 = tpu.memref_slice %arg3[%dma_start3A_747, %arg1, %add3A_746, %dma_start3A_754] : memref<4x16x8x128xi32, #tpu.memory_space<hbm>> -> memref<1x1x1x128xi32, #tpu.memory_space<hbm>>
        %dma_start3A_756 = tpu.memref_squeeze %dma_start3A_755 : memref<1x1x1x128xi32, #tpu.memory_space<hbm>> -> memref<128xi32, #tpu.memory_space<hbm>>
        tpu.enqueue_dma source(%dma_start3A_756 : memref<128xi32, #tpu.memory_space<hbm>>) target(%arg6 : memref<128xi32, #tpu.memory_space<vmem>>) target_semaphore(%dma_start3A_753 : memref<!tpu.dma_semaphore, #tpu.memory_space<semaphore_mem>>)
      } else {
      }
      %add3A_362 = arith.constant 0 : i32
      %add3A_363 = arith.addi %scan3A_329, %add3A_362 : i32
      %add3A_364 = arith.constant 2 : i32
      %add3A_365 = arith.addi %add3A_351, %add3A_364 : i32
      %lt3A_366 = arith.constant 32 : i32
      %lt3A_367 = arith.cmpi slt, %add3A_365, %lt3A_366 : i32
      %convert_element_type3A_368 = arith.extui %lt3A_367 : i1 to i32
      %cond3A_369 = arith.constant 0 : i32
      %cond3A_370 = arith.cmpi ne, %convert_element_type3A_368, %cond3A_369 : i32
      scf.if %cond3A_370 {
        %ge3A = arith.constant 2 : i32
        %ge3A_745 = arith.cmpi sge, %add3A_351, %ge3A : i32
        %convert_element_type3A_746 = arith.extui %ge3A_745 : i1 to i32
        %cond3A_747 = arith.constant 0 : i32
        %cond3A_748 = arith.cmpi ne, %convert_element_type3A_746, %cond3A_747 : i32
        scf.if %cond3A_748 {
          %dma_wait3A_755 = arith.constant 2 : i32
          %dma_wait3A_756 = arith.constant 0 : i32
          %dma_wait3A_757 = arith.constant 0 : i32
          %dma_wait3A_758 = tpu.memref_slice %arg13[%dma_wait3A_756, %dma_wait3A_757] : memref<128x128xf32, #tpu.memory_space<vmem>> -> memref<32x128xf32, #tpu.memory_space<vmem>>
          %dma_wait3A_759 = arith.constant 0 : i32
          %dma_wait3A_760 = arith.constant 0 : i32
          %dma_wait3A_761 = tpu.memref_slice %arg5[%dma_wait3A_759, %dma_wait3A_760] : memref<16384x1024xf32, #tpu.memory_space<hbm>> -> memref<32x128xf32, #tpu.memory_space<hbm>>
          %dma_wait3A_762 = tpu.memref_slice %arg19[%dma_wait3A_755] : memref<4x!tpu.dma_semaphore, #tpu.memory_space<semaphore_mem>> -> memref<1x!tpu.dma_semaphore, #tpu.memory_space<semaphore_mem>>
          %dma_wait3A_763 = tpu.memref_squeeze %dma_wait3A_762 : memref<1x!tpu.dma_semaphore, #tpu.memory_space<semaphore_mem>> -> memref<!tpu.dma_semaphore, #tpu.memory_space<semaphore_mem>>
          %dma_wait3A_764 = arith.constant 0 : i32
          %dma_wait3A_765 = arith.constant 0 : i32
          %dma_wait3A_766 = tpu.memref_slice %arg5[%dma_wait3A_764, %dma_wait3A_765] : memref<16384x1024xf32, #tpu.memory_space<hbm>> -> memref<32x128xf32, #tpu.memory_space<hbm>>
          %dma_wait3A_767 = arith.constant 0 : i32
          %dma_wait3A_768 = arith.constant 0 : i32
          %dma_wait3A_769 = tpu.memref_slice %arg13[%dma_wait3A_767, %dma_wait3A_768] : memref<128x128xf32, #tpu.memory_space<vmem>> -> memref<32x128xf32, #tpu.memory_space<vmem>>
          tpu.wait_dma2 semaphore(%dma_wait3A_763 : memref<!tpu.dma_semaphore, #tpu.memory_space<semaphore_mem>>) src(%dma_wait3A_769 : memref<32x128xf32, #tpu.memory_space<vmem>>) dst(%dma_wait3A_766 : memref<32x128xf32, #tpu.memory_space<hbm>>)
          %dma_wait3A_770 = arith.constant 2 : i32
          %dma_wait3A_771 = arith.constant 32 : i32
          %dma_wait3A_772 = arith.constant 0 : i32
          %dma_wait3A_773 = tpu.memref_slice %arg13[%dma_wait3A_771, %dma_wait3A_772] : memref<128x128xf32, #tpu.memory_space<vmem>> -> memref<32x128xf32, #tpu.memory_space<vmem>>
          %dma_wait3A_774 = arith.constant 0 : i32
          %dma_wait3A_775 = arith.constant 0 : i32
          %dma_wait3A_776 = tpu.memref_slice %arg5[%dma_wait3A_774, %dma_wait3A_775] : memref<16384x1024xf32, #tpu.memory_space<hbm>> -> memref<32x128xf32, #tpu.memory_space<hbm>>
          %dma_wait3A_777 = tpu.memref_slice %arg19[%dma_wait3A_770] : memref<4x!tpu.dma_semaphore, #tpu.memory_space<semaphore_mem>> -> memref<1x!tpu.dma_semaphore, #tpu.memory_space<semaphore_mem>>
          %dma_wait3A_778 = tpu.memref_squeeze %dma_wait3A_777 : memref<1x!tpu.dma_semaphore, #tpu.memory_space<semaphore_mem>> -> memref<!tpu.dma_semaphore, #tpu.memory_space<semaphore_mem>>
          %dma_wait3A_779 = arith.constant 0 : i32
          %dma_wait3A_780 = arith.constant 0 : i32
          %dma_wait3A_781 = tpu.memref_slice %arg5[%dma_wait3A_779, %dma_wait3A_780] : memref<16384x1024xf32, #tpu.memory_space<hbm>> -> memref<32x128xf32, #tpu.memory_space<hbm>>
          %dma_wait3A_782 = arith.constant 32 : i32
          %dma_wait3A_783 = arith.constant 0 : i32
          %dma_wait3A_784 = tpu.memref_slice %arg13[%dma_wait3A_782, %dma_wait3A_783] : memref<128x128xf32, #tpu.memory_space<vmem>> -> memref<32x128xf32, #tpu.memory_space<vmem>>
          tpu.wait_dma2 semaphore(%dma_wait3A_778 : memref<!tpu.dma_semaphore, #tpu.memory_space<semaphore_mem>>) src(%dma_wait3A_784 : memref<32x128xf32, #tpu.memory_space<vmem>>) dst(%dma_wait3A_781 : memref<32x128xf32, #tpu.memory_space<hbm>>)
          %dma_wait3A_785 = arith.constant 2 : i32
          %dma_wait3A_786 = arith.constant 64 : i32
          %dma_wait3A_787 = arith.constant 0 : i32
          %dma_wait3A_788 = tpu.memref_slice %arg13[%dma_wait3A_786, %dma_wait3A_787] : memref<128x128xf32, #tpu.memory_space<vmem>> -> memref<32x128xf32, #tpu.memory_space<vmem>>
          %dma_wait3A_789 = arith.constant 0 : i32
          %dma_wait3A_790 = arith.constant 0 : i32
          %dma_wait3A_791 = tpu.memref_slice %arg5[%dma_wait3A_789, %dma_wait3A_790] : memref<16384x1024xf32, #tpu.memory_space<hbm>> -> memref<32x128xf32, #tpu.memory_space<hbm>>
          %dma_wait3A_792 = tpu.memref_slice %arg19[%dma_wait3A_785] : memref<4x!tpu.dma_semaphore, #tpu.memory_space<semaphore_mem>> -> memref<1x!tpu.dma_semaphore, #tpu.memory_space<semaphore_mem>>
          %dma_wait3A_793 = tpu.memref_squeeze %dma_wait3A_792 : memref<1x!tpu.dma_semaphore, #tpu.memory_space<semaphore_mem>> -> memref<!tpu.dma_semaphore, #tpu.memory_space<semaphore_mem>>
          %dma_wait3A_794 = arith.constant 0 : i32
          %dma_wait3A_795 = arith.constant 0 : i32
          %dma_wait3A_796 = tpu.memref_slice %arg5[%dma_wait3A_794, %dma_wait3A_795] : memref<16384x1024xf32, #tpu.memory_space<hbm>> -> memref<32x128xf32, #tpu.memory_space<hbm>>
          %dma_wait3A_797 = arith.constant 64 : i32
          %dma_wait3A_798 = arith.constant 0 : i32
          %dma_wait3A_799 = tpu.memref_slice %arg13[%dma_wait3A_797, %dma_wait3A_798] : memref<128x128xf32, #tpu.memory_space<vmem>> -> memref<32x128xf32, #tpu.memory_space<vmem>>
          tpu.wait_dma2 semaphore(%dma_wait3A_793 : memref<!tpu.dma_semaphore, #tpu.memory_space<semaphore_mem>>) src(%dma_wait3A_799 : memref<32x128xf32, #tpu.memory_space<vmem>>) dst(%dma_wait3A_796 : memref<32x128xf32, #tpu.memory_space<hbm>>)
          %dma_wait3A_800 = arith.constant 2 : i32
          %dma_wait3A_801 = arith.constant 96 : i32
          %dma_wait3A_802 = arith.constant 0 : i32
          %dma_wait3A_803 = tpu.memref_slice %arg13[%dma_wait3A_801, %dma_wait3A_802] : memref<128x128xf32, #tpu.memory_space<vmem>> -> memref<32x128xf32, #tpu.memory_space<vmem>>
          %dma_wait3A_804 = arith.constant 0 : i32
          %dma_wait3A_805 = arith.constant 0 : i32
          %dma_wait3A_806 = tpu.memref_slice %arg5[%dma_wait3A_804, %dma_wait3A_805] : memref<16384x1024xf32, #tpu.memory_space<hbm>> -> memref<32x128xf32, #tpu.memory_space<hbm>>
          %dma_wait3A_807 = tpu.memref_slice %arg19[%dma_wait3A_800] : memref<4x!tpu.dma_semaphore, #tpu.memory_space<semaphore_mem>> -> memref<1x!tpu.dma_semaphore, #tpu.memory_space<semaphore_mem>>
          %dma_wait3A_808 = tpu.memref_squeeze %dma_wait3A_807 : memref<1x!tpu.dma_semaphore, #tpu.memory_space<semaphore_mem>> -> memref<!tpu.dma_semaphore, #tpu.memory_space<semaphore_mem>>
          %dma_wait3A_809 = arith.constant 0 : i32
          %dma_wait3A_810 = arith.constant 0 : i32
          %dma_wait3A_811 = tpu.memref_slice %arg5[%dma_wait3A_809, %dma_wait3A_810] : memref<16384x1024xf32, #tpu.memory_space<hbm>> -> memref<32x128xf32, #tpu.memory_space<hbm>>
          %dma_wait3A_812 = arith.constant 96 : i32
          %dma_wait3A_813 = arith.constant 0 : i32
          %dma_wait3A_814 = tpu.memref_slice %arg13[%dma_wait3A_812, %dma_wait3A_813] : memref<128x128xf32, #tpu.memory_space<vmem>> -> memref<32x128xf32, #tpu.memory_space<vmem>>
          tpu.wait_dma2 semaphore(%dma_wait3A_808 : memref<!tpu.dma_semaphore, #tpu.memory_space<semaphore_mem>>) src(%dma_wait3A_814 : memref<32x128xf32, #tpu.memory_space<vmem>>) dst(%dma_wait3A_811 : memref<32x128xf32, #tpu.memory_space<hbm>>)
          %dma_wait3A_815 = arith.constant 0 : i32
          %dma_wait3A_816 = arith.constant 0 : i32
          %dma_wait3A_817 = arith.constant 0 : i32
          %dma_wait3A_818 = arith.constant 2 : i32
          %dma_wait3A_819 = arith.constant 0 : i32
          %dma_wait3A_820 = tpu.memref_slice %arg3[%dma_wait3A_815, %dma_wait3A_816, %dma_wait3A_817, %dma_wait3A_819] : memref<4x16x8x128xi32, #tpu.memory_space<hbm>> -> memref<1x1x1x128xi32, #tpu.memory_space<hbm>>
          %dma_wait3A_821 = tpu.memref_squeeze %dma_wait3A_820 : memref<1x1x1x128xi32, #tpu.memory_space<hbm>> -> memref<128xi32, #tpu.memory_space<hbm>>
          %dma_wait3A_822 = tpu.memref_slice %arg17[%dma_wait3A_818] : memref<4x!tpu.dma_semaphore, #tpu.memory_space<semaphore_mem>> -> memref<1x!tpu.dma_semaphore, #tpu.memory_space<semaphore_mem>>
          %dma_wait3A_823 = tpu.memref_squeeze %dma_wait3A_822 : memref<1x!tpu.dma_semaphore, #tpu.memory_space<semaphore_mem>> -> memref<!tpu.dma_semaphore, #tpu.memory_space<semaphore_mem>>
          %dma_wait3A_824 = arith.constant 0 : i32
          %dma_wait3A_825 = tpu.memref_slice %arg3[%dma_wait3A_815, %dma_wait3A_816, %dma_wait3A_817, %dma_wait3A_824] : memref<4x16x8x128xi32, #tpu.memory_space<hbm>> -> memref<1x1x1x128xi32, #tpu.memory_space<hbm>>
          %dma_wait3A_826 = tpu.memref_squeeze %dma_wait3A_825 : memref<1x1x1x128xi32, #tpu.memory_space<hbm>> -> memref<128xi32, #tpu.memory_space<hbm>>
          tpu.wait_dma2 semaphore(%dma_wait3A_823 : memref<!tpu.dma_semaphore, #tpu.memory_space<semaphore_mem>>) src(%dma_wait3A_826 : memref<128xi32, #tpu.memory_space<hbm>>) dst(%arg8 : memref<128xi32, #tpu.memory_space<vmem>>)
        } else {
        }
        %dma_start3A_749 = arith.constant 2 : i32
        %dma_start3A_750 = arith.constant 0 : i32
        %dma_start3A_751 = arith.constant 0 : i32
        %dma_start3A_752 = tpu.memref_slice %arg15[%dma_start3A_750, %dma_start3A_751] : memref<2048x128xf32, #tpu.memory_space<vmem_shared>> -> memref<2048x128xf32, #tpu.memory_space<vmem_shared>>
        %dma_start3A_753 = tpu.memref_slice %arg18[%dma_start3A_749] : memref<4x!tpu.dma_semaphore, #tpu.memory_space<semaphore_mem>> -> memref<1x!tpu.dma_semaphore, #tpu.memory_space<semaphore_mem>>
        %dma_start3A_754 = tpu.memref_squeeze %dma_start3A_753 : memref<1x!tpu.dma_semaphore, #tpu.memory_space<semaphore_mem>> -> memref<!tpu.dma_semaphore, #tpu.memory_space<semaphore_mem>>
        tpu.enqueue_indirect_dma source(%dma_start3A_752 : memref<2048x128xf32, #tpu.memory_space<vmem_shared>>) target(%arg13 : memref<128x128xf32, #tpu.memory_space<vmem>>) offsets(%arg8 : memref<128xi32, #tpu.memory_space<vmem>>) semaphore(%dma_start3A_754 : memref<!tpu.dma_semaphore, #tpu.memory_space<semaphore_mem>>)
      } else {
      }
      %add3A_371 = arith.constant 0 : i32
      %add3A_372 = arith.addi %add3A_371, %mul3A_2 : i32
      %mul3A_373 = arith.constant 32 : i32
      %mul3A_374 = arith.muli %scan3A_329, %mul3A_373 : i32
      %add3A_375 = arith.addi %add3A_372, %mul3A_374 : i32
      %add3A_376 = arith.constant 0 : i32
      %add3A_377 = arith.addi %mul3A_0, %add3A_376 : i32
      %dma_start3A_378 = arith.constant 0 : i32
      %dma_start3A_379 = arith.constant 0 : i32
      %dma_start3A_380 = arith.constant 0 : i32
      %dma_start3A_381 = tpu.memref_slice %arg11[%dma_start3A_379, %dma_start3A_380] : memref<128x128xf32, #tpu.memory_space<vmem>> -> memref<32x128xf32, #tpu.memory_space<vmem>>
      %dma_start3A_382 = tpu.memref_slice %arg5[%add3A_375, %add3A_377] : memref<16384x1024xf32, #tpu.memory_space<hbm>> -> memref<32x128xf32, #tpu.memory_space<hbm>>
      %dma_start3A_383 = tpu.memref_slice %arg19[%dma_start3A_378] : memref<4x!tpu.dma_semaphore, #tpu.memory_space<semaphore_mem>> -> memref<1x!tpu.dma_semaphore, #tpu.memory_space<semaphore_mem>>
      %dma_start3A_384 = tpu.memref_squeeze %dma_start3A_383 : memref<1x!tpu.dma_semaphore, #tpu.memory_space<semaphore_mem>> -> memref<!tpu.dma_semaphore, #tpu.memory_space<semaphore_mem>>
      %dma_start3A_385 = tpu.memref_slice %arg5[%add3A_375, %add3A_377] : memref<16384x1024xf32, #tpu.memory_space<hbm>> -> memref<32x128xf32, #tpu.memory_space<hbm>>
      %dma_start3A_386 = arith.constant 0 : i32
      %dma_start3A_387 = arith.constant 0 : i32
      %dma_start3A_388 = tpu.memref_slice %arg11[%dma_start3A_386, %dma_start3A_387] : memref<128x128xf32, #tpu.memory_space<vmem>> -> memref<32x128xf32, #tpu.memory_space<vmem>>
      tpu.enqueue_dma source(%dma_start3A_388 : memref<32x128xf32, #tpu.memory_space<vmem>>) target(%dma_start3A_385 : memref<32x128xf32, #tpu.memory_space<hbm>>) target_semaphore(%dma_start3A_384 : memref<!tpu.dma_semaphore, #tpu.memory_space<semaphore_mem>>)
      %add3A_389 = arith.constant 0 : i32
      %add3A_390 = arith.addi %add3A_389, %mul3A_2 : i32
      %mul3A_391 = arith.constant 32 : i32
      %mul3A_392 = arith.muli %scan3A_329, %mul3A_391 : i32
      %add3A_393 = arith.addi %add3A_390, %mul3A_392 : i32
      %add3A_394 = arith.constant 128 : i32
      %add3A_395 = arith.addi %mul3A_0, %add3A_394 : i32
      %dma_start3A_396 = arith.constant 0 : i32
      %dma_start3A_397 = arith.constant 32 : i32
      %dma_start3A_398 = arith.constant 0 : i32
      %dma_start3A_399 = tpu.memref_slice %arg11[%dma_start3A_397, %dma_start3A_398] : memref<128x128xf32, #tpu.memory_space<vmem>> -> memref<32x128xf32, #tpu.memory_space<vmem>>
      %dma_start3A_400 = tpu.memref_slice %arg5[%add3A_393, %add3A_395] : memref<16384x1024xf32, #tpu.memory_space<hbm>> -> memref<32x128xf32, #tpu.memory_space<hbm>>
      %dma_start3A_401 = tpu.memref_slice %arg19[%dma_start3A_396] : memref<4x!tpu.dma_semaphore, #tpu.memory_space<semaphore_mem>> -> memref<1x!tpu.dma_semaphore, #tpu.memory_space<semaphore_mem>>
      %dma_start3A_402 = tpu.memref_squeeze %dma_start3A_401 : memref<1x!tpu.dma_semaphore, #tpu.memory_space<semaphore_mem>> -> memref<!tpu.dma_semaphore, #tpu.memory_space<semaphore_mem>>
      %dma_start3A_403 = tpu.memref_slice %arg5[%add3A_393, %add3A_395] : memref<16384x1024xf32, #tpu.memory_space<hbm>> -> memref<32x128xf32, #tpu.memory_space<hbm>>
      %dma_start3A_404 = arith.constant 32 : i32
      %dma_start3A_405 = arith.constant 0 : i32
      %dma_start3A_406 = tpu.memref_slice %arg11[%dma_start3A_404, %dma_start3A_405] : memref<128x128xf32, #tpu.memory_space<vmem>> -> memref<32x128xf32, #tpu.memory_space<vmem>>
      tpu.enqueue_dma source(%dma_start3A_406 : memref<32x128xf32, #tpu.memory_space<vmem>>) target(%dma_start3A_403 : memref<32x128xf32, #tpu.memory_space<hbm>>) target_semaphore(%dma_start3A_402 : memref<!tpu.dma_semaphore, #tpu.memory_space<semaphore_mem>>)
      %add3A_407 = arith.constant 0 : i32
      %add3A_408 = arith.addi %add3A_407, %mul3A_2 : i32
      %mul3A_409 = arith.constant 32 : i32
      %mul3A_410 = arith.muli %scan3A_329, %mul3A_409 : i32
      %add3A_411 = arith.addi %add3A_408, %mul3A_410 : i32
      %add3A_412 = arith.constant 256 : i32
      %add3A_413 = arith.addi %mul3A_0, %add3A_412 : i32
      %dma_start3A_414 = arith.constant 0 : i32
      %dma_start3A_415 = arith.constant 64 : i32
      %dma_start3A_416 = arith.constant 0 : i32
      %dma_start3A_417 = tpu.memref_slice %arg11[%dma_start3A_415, %dma_start3A_416] : memref<128x128xf32, #tpu.memory_space<vmem>> -> memref<32x128xf32, #tpu.memory_space<vmem>>
      %dma_start3A_418 = tpu.memref_slice %arg5[%add3A_411, %add3A_413] : memref<16384x1024xf32, #tpu.memory_space<hbm>> -> memref<32x128xf32, #tpu.memory_space<hbm>>
      %dma_start3A_419 = tpu.memref_slice %arg19[%dma_start3A_414] : memref<4x!tpu.dma_semaphore, #tpu.memory_space<semaphore_mem>> -> memref<1x!tpu.dma_semaphore, #tpu.memory_space<semaphore_mem>>
      %dma_start3A_420 = tpu.memref_squeeze %dma_start3A_419 : memref<1x!tpu.dma_semaphore, #tpu.memory_space<semaphore_mem>> -> memref<!tpu.dma_semaphore, #tpu.memory_space<semaphore_mem>>
      %dma_start3A_421 = tpu.memref_slice %arg5[%add3A_411, %add3A_413] : memref<16384x1024xf32, #tpu.memory_space<hbm>> -> memref<32x128xf32, #tpu.memory_space<hbm>>
      %dma_start3A_422 = arith.constant 64 : i32
      %dma_start3A_423 = arith.constant 0 : i32
      %dma_start3A_424 = tpu.memref_slice %arg11[%dma_start3A_422, %dma_start3A_423] : memref<128x128xf32, #tpu.memory_space<vmem>> -> memref<32x128xf32, #tpu.memory_space<vmem>>
      tpu.enqueue_dma source(%dma_start3A_424 : memref<32x128xf32, #tpu.memory_space<vmem>>) target(%dma_start3A_421 : memref<32x128xf32, #tpu.memory_space<hbm>>) target_semaphore(%dma_start3A_420 : memref<!tpu.dma_semaphore, #tpu.memory_space<semaphore_mem>>)
      %add3A_425 = arith.constant 0 : i32
      %add3A_426 = arith.addi %add3A_425, %mul3A_2 : i32
      %mul3A_427 = arith.constant 32 : i32
      %mul3A_428 = arith.muli %scan3A_329, %mul3A_427 : i32
      %add3A_429 = arith.addi %add3A_426, %mul3A_428 : i32
      %add3A_430 = arith.constant 384 : i32
      %add3A_431 = arith.addi %mul3A_0, %add3A_430 : i32
      %dma_start3A_432 = arith.constant 0 : i32
      %dma_start3A_433 = arith.constant 96 : i32
      %dma_start3A_434 = arith.constant 0 : i32
      %dma_start3A_435 = tpu.memref_slice %arg11[%dma_start3A_433, %dma_start3A_434] : memref<128x128xf32, #tpu.memory_space<vmem>> -> memref<32x128xf32, #tpu.memory_space<vmem>>
      %dma_start3A_436 = tpu.memref_slice %arg5[%add3A_429, %add3A_431] : memref<16384x1024xf32, #tpu.memory_space<hbm>> -> memref<32x128xf32, #tpu.memory_space<hbm>>
      %dma_start3A_437 = tpu.memref_slice %arg19[%dma_start3A_432] : memref<4x!tpu.dma_semaphore, #tpu.memory_space<semaphore_mem>> -> memref<1x!tpu.dma_semaphore, #tpu.memory_space<semaphore_mem>>
      %dma_start3A_438 = tpu.memref_squeeze %dma_start3A_437 : memref<1x!tpu.dma_semaphore, #tpu.memory_space<semaphore_mem>> -> memref<!tpu.dma_semaphore, #tpu.memory_space<semaphore_mem>>
      %dma_start3A_439 = tpu.memref_slice %arg5[%add3A_429, %add3A_431] : memref<16384x1024xf32, #tpu.memory_space<hbm>> -> memref<32x128xf32, #tpu.memory_space<hbm>>
      %dma_start3A_440 = arith.constant 96 : i32
      %dma_start3A_441 = arith.constant 0 : i32
      %dma_start3A_442 = tpu.memref_slice %arg11[%dma_start3A_440, %dma_start3A_441] : memref<128x128xf32, #tpu.memory_space<vmem>> -> memref<32x128xf32, #tpu.memory_space<vmem>>
      tpu.enqueue_dma source(%dma_start3A_442 : memref<32x128xf32, #tpu.memory_space<vmem>>) target(%dma_start3A_439 : memref<32x128xf32, #tpu.memory_space<hbm>>) target_semaphore(%dma_start3A_438 : memref<!tpu.dma_semaphore, #tpu.memory_space<semaphore_mem>>)
      %mul3A_443 = arith.constant 4 : i32
      %mul3A_444 = arith.muli %scan3A_329, %mul3A_443 : i32
      %add3A_445 = arith.constant 1 : i32
      %add3A_446 = arith.addi %mul3A_444, %add3A_445 : i32
      %dma_wait3A_447 = arith.constant 1 : i32
      %dma_wait3A_448 = arith.constant 0 : i32
      %dma_wait3A_449 = arith.constant 0 : i32
      %dma_wait3A_450 = tpu.memref_slice %arg15[%dma_wait3A_448, %dma_wait3A_449] : memref<2048x128xf32, #tpu.memory_space<vmem_shared>> -> memref<2048x128xf32, #tpu.memory_space<vmem_shared>>
      %dma_wait3A_451 = tpu.memref_slice %arg18[%dma_wait3A_447] : memref<4x!tpu.dma_semaphore, #tpu.memory_space<semaphore_mem>> -> memref<1x!tpu.dma_semaphore, #tpu.memory_space<semaphore_mem>>
      %dma_wait3A_452 = tpu.memref_squeeze %dma_wait3A_451 : memref<1x!tpu.dma_semaphore, #tpu.memory_space<semaphore_mem>> -> memref<!tpu.dma_semaphore, #tpu.memory_space<semaphore_mem>>
      tpu.wait_indirect_dma semaphore(%dma_wait3A_452 : memref<!tpu.dma_semaphore, #tpu.memory_space<semaphore_mem>>) src(%dma_wait3A_450 : memref<2048x128xf32, #tpu.memory_space<vmem_shared>>) dst(%arg12 : memref<128x128xf32, #tpu.memory_space<vmem>>)
      %add3A_453 = arith.constant 4 : i32
      %add3A_454 = arith.addi %add3A_446, %add3A_453 : i32
      %lt3A_455 = arith.constant 32 : i32
      %lt3A_456 = arith.cmpi slt, %add3A_454, %lt3A_455 : i32
      %convert_element_type3A_457 = arith.extui %lt3A_456 : i1 to i32
      %cond3A_458 = arith.constant 0 : i32
      %cond3A_459 = arith.cmpi ne, %convert_element_type3A_457, %cond3A_458 : i32
      scf.if %cond3A_459 {
        %add3A_745 = arith.constant 1 : i32
        %add3A_746 = arith.addi %scan3A_329, %add3A_745 : i32
        %dma_start3A_747 = arith.constant 1 : i32
        %dma_start3A_748 = arith.constant 1 : i32
        %dma_start3A_749 = arith.constant 0 : i32
        %dma_start3A_750 = tpu.memref_slice %arg3[%dma_start3A_747, %arg1, %add3A_746, %dma_start3A_749] : memref<4x16x8x128xi32, #tpu.memory_space<hbm>> -> memref<1x1x1x128xi32, #tpu.memory_space<hbm>>
        %dma_start3A_751 = tpu.memref_squeeze %dma_start3A_750 : memref<1x1x1x128xi32, #tpu.memory_space<hbm>> -> memref<128xi32, #tpu.memory_space<hbm>>
        %dma_start3A_752 = tpu.memref_slice %arg17[%dma_start3A_748] : memref<4x!tpu.dma_semaphore, #tpu.memory_space<semaphore_mem>> -> memref<1x!tpu.dma_semaphore, #tpu.memory_space<semaphore_mem>>
        %dma_start3A_753 = tpu.memref_squeeze %dma_start3A_752 : memref<1x!tpu.dma_semaphore, #tpu.memory_space<semaphore_mem>> -> memref<!tpu.dma_semaphore, #tpu.memory_space<semaphore_mem>>
        %dma_start3A_754 = arith.constant 0 : i32
        %dma_start3A_755 = tpu.memref_slice %arg3[%dma_start3A_747, %arg1, %add3A_746, %dma_start3A_754] : memref<4x16x8x128xi32, #tpu.memory_space<hbm>> -> memref<1x1x1x128xi32, #tpu.memory_space<hbm>>
        %dma_start3A_756 = tpu.memref_squeeze %dma_start3A_755 : memref<1x1x1x128xi32, #tpu.memory_space<hbm>> -> memref<128xi32, #tpu.memory_space<hbm>>
        tpu.enqueue_dma source(%dma_start3A_756 : memref<128xi32, #tpu.memory_space<hbm>>) target(%arg7 : memref<128xi32, #tpu.memory_space<vmem>>) target_semaphore(%dma_start3A_753 : memref<!tpu.dma_semaphore, #tpu.memory_space<semaphore_mem>>)
      } else {
      }
      %add3A_460 = arith.constant 0 : i32
      %add3A_461 = arith.addi %scan3A_329, %add3A_460 : i32
      %add3A_462 = arith.constant 2 : i32
      %add3A_463 = arith.addi %add3A_446, %add3A_462 : i32
      %lt3A_464 = arith.constant 32 : i32
      %lt3A_465 = arith.cmpi slt, %add3A_463, %lt3A_464 : i32
      %convert_element_type3A_466 = arith.extui %lt3A_465 : i1 to i32
      %cond3A_467 = arith.constant 0 : i32
      %cond3A_468 = arith.cmpi ne, %convert_element_type3A_466, %cond3A_467 : i32
      scf.if %cond3A_468 {
        %ge3A = arith.constant 2 : i32
        %ge3A_745 = arith.cmpi sge, %add3A_446, %ge3A : i32
        %convert_element_type3A_746 = arith.extui %ge3A_745 : i1 to i32
        %cond3A_747 = arith.constant 0 : i32
        %cond3A_748 = arith.cmpi ne, %convert_element_type3A_746, %cond3A_747 : i32
        scf.if %cond3A_748 {
          %dma_wait3A_755 = arith.constant 3 : i32
          %dma_wait3A_756 = arith.constant 0 : i32
          %dma_wait3A_757 = arith.constant 0 : i32
          %dma_wait3A_758 = tpu.memref_slice %arg14[%dma_wait3A_756, %dma_wait3A_757] : memref<128x128xf32, #tpu.memory_space<vmem>> -> memref<32x128xf32, #tpu.memory_space<vmem>>
          %dma_wait3A_759 = arith.constant 0 : i32
          %dma_wait3A_760 = arith.constant 0 : i32
          %dma_wait3A_761 = tpu.memref_slice %arg5[%dma_wait3A_759, %dma_wait3A_760] : memref<16384x1024xf32, #tpu.memory_space<hbm>> -> memref<32x128xf32, #tpu.memory_space<hbm>>
          %dma_wait3A_762 = tpu.memref_slice %arg19[%dma_wait3A_755] : memref<4x!tpu.dma_semaphore, #tpu.memory_space<semaphore_mem>> -> memref<1x!tpu.dma_semaphore, #tpu.memory_space<semaphore_mem>>
          %dma_wait3A_763 = tpu.memref_squeeze %dma_wait3A_762 : memref<1x!tpu.dma_semaphore, #tpu.memory_space<semaphore_mem>> -> memref<!tpu.dma_semaphore, #tpu.memory_space<semaphore_mem>>
          %dma_wait3A_764 = arith.constant 0 : i32
          %dma_wait3A_765 = arith.constant 0 : i32
          %dma_wait3A_766 = tpu.memref_slice %arg5[%dma_wait3A_764, %dma_wait3A_765] : memref<16384x1024xf32, #tpu.memory_space<hbm>> -> memref<32x128xf32, #tpu.memory_space<hbm>>
          %dma_wait3A_767 = arith.constant 0 : i32
          %dma_wait3A_768 = arith.constant 0 : i32
          %dma_wait3A_769 = tpu.memref_slice %arg14[%dma_wait3A_767, %dma_wait3A_768] : memref<128x128xf32, #tpu.memory_space<vmem>> -> memref<32x128xf32, #tpu.memory_space<vmem>>
          tpu.wait_dma2 semaphore(%dma_wait3A_763 : memref<!tpu.dma_semaphore, #tpu.memory_space<semaphore_mem>>) src(%dma_wait3A_769 : memref<32x128xf32, #tpu.memory_space<vmem>>) dst(%dma_wait3A_766 : memref<32x128xf32, #tpu.memory_space<hbm>>)
          %dma_wait3A_770 = arith.constant 3 : i32
          %dma_wait3A_771 = arith.constant 32 : i32
          %dma_wait3A_772 = arith.constant 0 : i32
          %dma_wait3A_773 = tpu.memref_slice %arg14[%dma_wait3A_771, %dma_wait3A_772] : memref<128x128xf32, #tpu.memory_space<vmem>> -> memref<32x128xf32, #tpu.memory_space<vmem>>
          %dma_wait3A_774 = arith.constant 0 : i32
          %dma_wait3A_775 = arith.constant 0 : i32
          %dma_wait3A_776 = tpu.memref_slice %arg5[%dma_wait3A_774, %dma_wait3A_775] : memref<16384x1024xf32, #tpu.memory_space<hbm>> -> memref<32x128xf32, #tpu.memory_space<hbm>>
          %dma_wait3A_777 = tpu.memref_slice %arg19[%dma_wait3A_770] : memref<4x!tpu.dma_semaphore, #tpu.memory_space<semaphore_mem>> -> memref<1x!tpu.dma_semaphore, #tpu.memory_space<semaphore_mem>>
          %dma_wait3A_778 = tpu.memref_squeeze %dma_wait3A_777 : memref<1x!tpu.dma_semaphore, #tpu.memory_space<semaphore_mem>> -> memref<!tpu.dma_semaphore, #tpu.memory_space<semaphore_mem>>
          %dma_wait3A_779 = arith.constant 0 : i32
          %dma_wait3A_780 = arith.constant 0 : i32
          %dma_wait3A_781 = tpu.memref_slice %arg5[%dma_wait3A_779, %dma_wait3A_780] : memref<16384x1024xf32, #tpu.memory_space<hbm>> -> memref<32x128xf32, #tpu.memory_space<hbm>>
          %dma_wait3A_782 = arith.constant 32 : i32
          %dma_wait3A_783 = arith.constant 0 : i32
          %dma_wait3A_784 = tpu.memref_slice %arg14[%dma_wait3A_782, %dma_wait3A_783] : memref<128x128xf32, #tpu.memory_space<vmem>> -> memref<32x128xf32, #tpu.memory_space<vmem>>
          tpu.wait_dma2 semaphore(%dma_wait3A_778 : memref<!tpu.dma_semaphore, #tpu.memory_space<semaphore_mem>>) src(%dma_wait3A_784 : memref<32x128xf32, #tpu.memory_space<vmem>>) dst(%dma_wait3A_781 : memref<32x128xf32, #tpu.memory_space<hbm>>)
          %dma_wait3A_785 = arith.constant 3 : i32
          %dma_wait3A_786 = arith.constant 64 : i32
          %dma_wait3A_787 = arith.constant 0 : i32
          %dma_wait3A_788 = tpu.memref_slice %arg14[%dma_wait3A_786, %dma_wait3A_787] : memref<128x128xf32, #tpu.memory_space<vmem>> -> memref<32x128xf32, #tpu.memory_space<vmem>>
          %dma_wait3A_789 = arith.constant 0 : i32
          %dma_wait3A_790 = arith.constant 0 : i32
          %dma_wait3A_791 = tpu.memref_slice %arg5[%dma_wait3A_789, %dma_wait3A_790] : memref<16384x1024xf32, #tpu.memory_space<hbm>> -> memref<32x128xf32, #tpu.memory_space<hbm>>
          %dma_wait3A_792 = tpu.memref_slice %arg19[%dma_wait3A_785] : memref<4x!tpu.dma_semaphore, #tpu.memory_space<semaphore_mem>> -> memref<1x!tpu.dma_semaphore, #tpu.memory_space<semaphore_mem>>
          %dma_wait3A_793 = tpu.memref_squeeze %dma_wait3A_792 : memref<1x!tpu.dma_semaphore, #tpu.memory_space<semaphore_mem>> -> memref<!tpu.dma_semaphore, #tpu.memory_space<semaphore_mem>>
          %dma_wait3A_794 = arith.constant 0 : i32
          %dma_wait3A_795 = arith.constant 0 : i32
          %dma_wait3A_796 = tpu.memref_slice %arg5[%dma_wait3A_794, %dma_wait3A_795] : memref<16384x1024xf32, #tpu.memory_space<hbm>> -> memref<32x128xf32, #tpu.memory_space<hbm>>
          %dma_wait3A_797 = arith.constant 64 : i32
          %dma_wait3A_798 = arith.constant 0 : i32
          %dma_wait3A_799 = tpu.memref_slice %arg14[%dma_wait3A_797, %dma_wait3A_798] : memref<128x128xf32, #tpu.memory_space<vmem>> -> memref<32x128xf32, #tpu.memory_space<vmem>>
          tpu.wait_dma2 semaphore(%dma_wait3A_793 : memref<!tpu.dma_semaphore, #tpu.memory_space<semaphore_mem>>) src(%dma_wait3A_799 : memref<32x128xf32, #tpu.memory_space<vmem>>) dst(%dma_wait3A_796 : memref<32x128xf32, #tpu.memory_space<hbm>>)
          %dma_wait3A_800 = arith.constant 3 : i32
          %dma_wait3A_801 = arith.constant 96 : i32
          %dma_wait3A_802 = arith.constant 0 : i32
          %dma_wait3A_803 = tpu.memref_slice %arg14[%dma_wait3A_801, %dma_wait3A_802] : memref<128x128xf32, #tpu.memory_space<vmem>> -> memref<32x128xf32, #tpu.memory_space<vmem>>
          %dma_wait3A_804 = arith.constant 0 : i32
          %dma_wait3A_805 = arith.constant 0 : i32
          %dma_wait3A_806 = tpu.memref_slice %arg5[%dma_wait3A_804, %dma_wait3A_805] : memref<16384x1024xf32, #tpu.memory_space<hbm>> -> memref<32x128xf32, #tpu.memory_space<hbm>>
          %dma_wait3A_807 = tpu.memref_slice %arg19[%dma_wait3A_800] : memref<4x!tpu.dma_semaphore, #tpu.memory_space<semaphore_mem>> -> memref<1x!tpu.dma_semaphore, #tpu.memory_space<semaphore_mem>>
          %dma_wait3A_808 = tpu.memref_squeeze %dma_wait3A_807 : memref<1x!tpu.dma_semaphore, #tpu.memory_space<semaphore_mem>> -> memref<!tpu.dma_semaphore, #tpu.memory_space<semaphore_mem>>
          %dma_wait3A_809 = arith.constant 0 : i32
          %dma_wait3A_810 = arith.constant 0 : i32
          %dma_wait3A_811 = tpu.memref_slice %arg5[%dma_wait3A_809, %dma_wait3A_810] : memref<16384x1024xf32, #tpu.memory_space<hbm>> -> memref<32x128xf32, #tpu.memory_space<hbm>>
          %dma_wait3A_812 = arith.constant 96 : i32
          %dma_wait3A_813 = arith.constant 0 : i32
          %dma_wait3A_814 = tpu.memref_slice %arg14[%dma_wait3A_812, %dma_wait3A_813] : memref<128x128xf32, #tpu.memory_space<vmem>> -> memref<32x128xf32, #tpu.memory_space<vmem>>
          tpu.wait_dma2 semaphore(%dma_wait3A_808 : memref<!tpu.dma_semaphore, #tpu.memory_space<semaphore_mem>>) src(%dma_wait3A_814 : memref<32x128xf32, #tpu.memory_space<vmem>>) dst(%dma_wait3A_811 : memref<32x128xf32, #tpu.memory_space<hbm>>)
          %dma_wait3A_815 = arith.constant 0 : i32
          %dma_wait3A_816 = arith.constant 0 : i32
          %dma_wait3A_817 = arith.constant 0 : i32
          %dma_wait3A_818 = arith.constant 3 : i32
          %dma_wait3A_819 = arith.constant 0 : i32
          %dma_wait3A_820 = tpu.memref_slice %arg3[%dma_wait3A_815, %dma_wait3A_816, %dma_wait3A_817, %dma_wait3A_819] : memref<4x16x8x128xi32, #tpu.memory_space<hbm>> -> memref<1x1x1x128xi32, #tpu.memory_space<hbm>>
          %dma_wait3A_821 = tpu.memref_squeeze %dma_wait3A_820 : memref<1x1x1x128xi32, #tpu.memory_space<hbm>> -> memref<128xi32, #tpu.memory_space<hbm>>
          %dma_wait3A_822 = tpu.memref_slice %arg17[%dma_wait3A_818] : memref<4x!tpu.dma_semaphore, #tpu.memory_space<semaphore_mem>> -> memref<1x!tpu.dma_semaphore, #tpu.memory_space<semaphore_mem>>
          %dma_wait3A_823 = tpu.memref_squeeze %dma_wait3A_822 : memref<1x!tpu.dma_semaphore, #tpu.memory_space<semaphore_mem>> -> memref<!tpu.dma_semaphore, #tpu.memory_space<semaphore_mem>>
          %dma_wait3A_824 = arith.constant 0 : i32
          %dma_wait3A_825 = tpu.memref_slice %arg3[%dma_wait3A_815, %dma_wait3A_816, %dma_wait3A_817, %dma_wait3A_824] : memref<4x16x8x128xi32, #tpu.memory_space<hbm>> -> memref<1x1x1x128xi32, #tpu.memory_space<hbm>>
          %dma_wait3A_826 = tpu.memref_squeeze %dma_wait3A_825 : memref<1x1x1x128xi32, #tpu.memory_space<hbm>> -> memref<128xi32, #tpu.memory_space<hbm>>
          tpu.wait_dma2 semaphore(%dma_wait3A_823 : memref<!tpu.dma_semaphore, #tpu.memory_space<semaphore_mem>>) src(%dma_wait3A_826 : memref<128xi32, #tpu.memory_space<hbm>>) dst(%arg9 : memref<128xi32, #tpu.memory_space<vmem>>)
        } else {
        }
        %dma_start3A_749 = arith.constant 3 : i32
        %dma_start3A_750 = arith.constant 0 : i32
        %dma_start3A_751 = arith.constant 0 : i32
        %dma_start3A_752 = tpu.memref_slice %arg15[%dma_start3A_750, %dma_start3A_751] : memref<2048x128xf32, #tpu.memory_space<vmem_shared>> -> memref<2048x128xf32, #tpu.memory_space<vmem_shared>>
        %dma_start3A_753 = tpu.memref_slice %arg18[%dma_start3A_749] : memref<4x!tpu.dma_semaphore, #tpu.memory_space<semaphore_mem>> -> memref<1x!tpu.dma_semaphore, #tpu.memory_space<semaphore_mem>>
        %dma_start3A_754 = tpu.memref_squeeze %dma_start3A_753 : memref<1x!tpu.dma_semaphore, #tpu.memory_space<semaphore_mem>> -> memref<!tpu.dma_semaphore, #tpu.memory_space<semaphore_mem>>
        tpu.enqueue_indirect_dma source(%dma_start3A_752 : memref<2048x128xf32, #tpu.memory_space<vmem_shared>>) target(%arg14 : memref<128x128xf32, #tpu.memory_space<vmem>>) offsets(%arg9 : memref<128xi32, #tpu.memory_space<vmem>>) semaphore(%dma_start3A_754 : memref<!tpu.dma_semaphore, #tpu.memory_space<semaphore_mem>>)
      } else {
      }
      %add3A_469 = arith.constant 4096 : i32
      %add3A_470 = arith.addi %add3A_469, %mul3A_2 : i32
      %mul3A_471 = arith.constant 32 : i32
      %mul3A_472 = arith.muli %scan3A_329, %mul3A_471 : i32
      %add3A_473 = arith.addi %add3A_470, %mul3A_472 : i32
      %add3A_474 = arith.constant 0 : i32
      %add3A_475 = arith.addi %mul3A_0, %add3A_474 : i32
      %dma_start3A_476 = arith.constant 1 : i32
      %dma_start3A_477 = arith.constant 0 : i32
      %dma_start3A_478 = arith.constant 0 : i32
      %dma_start3A_479 = tpu.memref_slice %arg12[%dma_start3A_477, %dma_start3A_478] : memref<128x128xf32, #tpu.memory_space<vmem>> -> memref<32x128xf32, #tpu.memory_space<vmem>>
      %dma_start3A_480 = tpu.memref_slice %arg5[%add3A_473, %add3A_475] : memref<16384x1024xf32, #tpu.memory_space<hbm>> -> memref<32x128xf32, #tpu.memory_space<hbm>>
      %dma_start3A_481 = tpu.memref_slice %arg19[%dma_start3A_476] : memref<4x!tpu.dma_semaphore, #tpu.memory_space<semaphore_mem>> -> memref<1x!tpu.dma_semaphore, #tpu.memory_space<semaphore_mem>>
      %dma_start3A_482 = tpu.memref_squeeze %dma_start3A_481 : memref<1x!tpu.dma_semaphore, #tpu.memory_space<semaphore_mem>> -> memref<!tpu.dma_semaphore, #tpu.memory_space<semaphore_mem>>
      %dma_start3A_483 = tpu.memref_slice %arg5[%add3A_473, %add3A_475] : memref<16384x1024xf32, #tpu.memory_space<hbm>> -> memref<32x128xf32, #tpu.memory_space<hbm>>
      %dma_start3A_484 = arith.constant 0 : i32
      %dma_start3A_485 = arith.constant 0 : i32
      %dma_start3A_486 = tpu.memref_slice %arg12[%dma_start3A_484, %dma_start3A_485] : memref<128x128xf32, #tpu.memory_space<vmem>> -> memref<32x128xf32, #tpu.memory_space<vmem>>
      tpu.enqueue_dma source(%dma_start3A_486 : memref<32x128xf32, #tpu.memory_space<vmem>>) target(%dma_start3A_483 : memref<32x128xf32, #tpu.memory_space<hbm>>) target_semaphore(%dma_start3A_482 : memref<!tpu.dma_semaphore, #tpu.memory_space<semaphore_mem>>)
      %add3A_487 = arith.constant 4096 : i32
      %add3A_488 = arith.addi %add3A_487, %mul3A_2 : i32
      %mul3A_489 = arith.constant 32 : i32
      %mul3A_490 = arith.muli %scan3A_329, %mul3A_489 : i32
      %add3A_491 = arith.addi %add3A_488, %mul3A_490 : i32
      %add3A_492 = arith.constant 128 : i32
      %add3A_493 = arith.addi %mul3A_0, %add3A_492 : i32
      %dma_start3A_494 = arith.constant 1 : i32
      %dma_start3A_495 = arith.constant 32 : i32
      %dma_start3A_496 = arith.constant 0 : i32
      %dma_start3A_497 = tpu.memref_slice %arg12[%dma_start3A_495, %dma_start3A_496] : memref<128x128xf32, #tpu.memory_space<vmem>> -> memref<32x128xf32, #tpu.memory_space<vmem>>
      %dma_start3A_498 = tpu.memref_slice %arg5[%add3A_491, %add3A_493] : memref<16384x1024xf32, #tpu.memory_space<hbm>> -> memref<32x128xf32, #tpu.memory_space<hbm>>
      %dma_start3A_499 = tpu.memref_slice %arg19[%dma_start3A_494] : memref<4x!tpu.dma_semaphore, #tpu.memory_space<semaphore_mem>> -> memref<1x!tpu.dma_semaphore, #tpu.memory_space<semaphore_mem>>
      %dma_start3A_500 = tpu.memref_squeeze %dma_start3A_499 : memref<1x!tpu.dma_semaphore, #tpu.memory_space<semaphore_mem>> -> memref<!tpu.dma_semaphore, #tpu.memory_space<semaphore_mem>>
      %dma_start3A_501 = tpu.memref_slice %arg5[%add3A_491, %add3A_493] : memref<16384x1024xf32, #tpu.memory_space<hbm>> -> memref<32x128xf32, #tpu.memory_space<hbm>>
      %dma_start3A_502 = arith.constant 32 : i32
      %dma_start3A_503 = arith.constant 0 : i32
      %dma_start3A_504 = tpu.memref_slice %arg12[%dma_start3A_502, %dma_start3A_503] : memref<128x128xf32, #tpu.memory_space<vmem>> -> memref<32x128xf32, #tpu.memory_space<vmem>>
      tpu.enqueue_dma source(%dma_start3A_504 : memref<32x128xf32, #tpu.memory_space<vmem>>) target(%dma_start3A_501 : memref<32x128xf32, #tpu.memory_space<hbm>>) target_semaphore(%dma_start3A_500 : memref<!tpu.dma_semaphore, #tpu.memory_space<semaphore_mem>>)
      %add3A_505 = arith.constant 4096 : i32
      %add3A_506 = arith.addi %add3A_505, %mul3A_2 : i32
      %mul3A_507 = arith.constant 32 : i32
      %mul3A_508 = arith.muli %scan3A_329, %mul3A_507 : i32
      %add3A_509 = arith.addi %add3A_506, %mul3A_508 : i32
      %add3A_510 = arith.constant 256 : i32
      %add3A_511 = arith.addi %mul3A_0, %add3A_510 : i32
      %dma_start3A_512 = arith.constant 1 : i32
      %dma_start3A_513 = arith.constant 64 : i32
      %dma_start3A_514 = arith.constant 0 : i32
      %dma_start3A_515 = tpu.memref_slice %arg12[%dma_start3A_513, %dma_start3A_514] : memref<128x128xf32, #tpu.memory_space<vmem>> -> memref<32x128xf32, #tpu.memory_space<vmem>>
      %dma_start3A_516 = tpu.memref_slice %arg5[%add3A_509, %add3A_511] : memref<16384x1024xf32, #tpu.memory_space<hbm>> -> memref<32x128xf32, #tpu.memory_space<hbm>>
      %dma_start3A_517 = tpu.memref_slice %arg19[%dma_start3A_512] : memref<4x!tpu.dma_semaphore, #tpu.memory_space<semaphore_mem>> -> memref<1x!tpu.dma_semaphore, #tpu.memory_space<semaphore_mem>>
      %dma_start3A_518 = tpu.memref_squeeze %dma_start3A_517 : memref<1x!tpu.dma_semaphore, #tpu.memory_space<semaphore_mem>> -> memref<!tpu.dma_semaphore, #tpu.memory_space<semaphore_mem>>
      %dma_start3A_519 = tpu.memref_slice %arg5[%add3A_509, %add3A_511] : memref<16384x1024xf32, #tpu.memory_space<hbm>> -> memref<32x128xf32, #tpu.memory_space<hbm>>
      %dma_start3A_520 = arith.constant 64 : i32
      %dma_start3A_521 = arith.constant 0 : i32
      %dma_start3A_522 = tpu.memref_slice %arg12[%dma_start3A_520, %dma_start3A_521] : memref<128x128xf32, #tpu.memory_space<vmem>> -> memref<32x128xf32, #tpu.memory_space<vmem>>
      tpu.enqueue_dma source(%dma_start3A_522 : memref<32x128xf32, #tpu.memory_space<vmem>>) target(%dma_start3A_519 : memref<32x128xf32, #tpu.memory_space<hbm>>) target_semaphore(%dma_start3A_518 : memref<!tpu.dma_semaphore, #tpu.memory_space<semaphore_mem>>)
      %add3A_523 = arith.constant 4096 : i32
      %add3A_524 = arith.addi %add3A_523, %mul3A_2 : i32
      %mul3A_525 = arith.constant 32 : i32
      %mul3A_526 = arith.muli %scan3A_329, %mul3A_525 : i32
      %add3A_527 = arith.addi %add3A_524, %mul3A_526 : i32
      %add3A_528 = arith.constant 384 : i32
      %add3A_529 = arith.addi %mul3A_0, %add3A_528 : i32
      %dma_start3A_530 = arith.constant 1 : i32
      %dma_start3A_531 = arith.constant 96 : i32
      %dma_start3A_532 = arith.constant 0 : i32
      %dma_start3A_533 = tpu.memref_slice %arg12[%dma_start3A_531, %dma_start3A_532] : memref<128x128xf32, #tpu.memory_space<vmem>> -> memref<32x128xf32, #tpu.memory_space<vmem>>
      %dma_start3A_534 = tpu.memref_slice %arg5[%add3A_527, %add3A_529] : memref<16384x1024xf32, #tpu.memory_space<hbm>> -> memref<32x128xf32, #tpu.memory_space<hbm>>
      %dma_start3A_535 = tpu.memref_slice %arg19[%dma_start3A_530] : memref<4x!tpu.dma_semaphore, #tpu.memory_space<semaphore_mem>> -> memref<1x!tpu.dma_semaphore, #tpu.memory_space<semaphore_mem>>
      %dma_start3A_536 = tpu.memref_squeeze %dma_start3A_535 : memref<1x!tpu.dma_semaphore, #tpu.memory_space<semaphore_mem>> -> memref<!tpu.dma_semaphore, #tpu.memory_space<semaphore_mem>>
      %dma_start3A_537 = tpu.memref_slice %arg5[%add3A_527, %add3A_529] : memref<16384x1024xf32, #tpu.memory_space<hbm>> -> memref<32x128xf32, #tpu.memory_space<hbm>>
      %dma_start3A_538 = arith.constant 96 : i32
      %dma_start3A_539 = arith.constant 0 : i32
      %dma_start3A_540 = tpu.memref_slice %arg12[%dma_start3A_538, %dma_start3A_539] : memref<128x128xf32, #tpu.memory_space<vmem>> -> memref<32x128xf32, #tpu.memory_space<vmem>>
      tpu.enqueue_dma source(%dma_start3A_540 : memref<32x128xf32, #tpu.memory_space<vmem>>) target(%dma_start3A_537 : memref<32x128xf32, #tpu.memory_space<hbm>>) target_semaphore(%dma_start3A_536 : memref<!tpu.dma_semaphore, #tpu.memory_space<semaphore_mem>>)
      %mul3A_541 = arith.constant 4 : i32
      %mul3A_542 = arith.muli %scan3A_329, %mul3A_541 : i32
      %add3A_543 = arith.constant 2 : i32
      %add3A_544 = arith.addi %mul3A_542, %add3A_543 : i32
      %dma_wait3A_545 = arith.constant 2 : i32
      %dma_wait3A_546 = arith.constant 0 : i32
      %dma_wait3A_547 = arith.constant 0 : i32
      %dma_wait3A_548 = tpu.memref_slice %arg15[%dma_wait3A_546, %dma_wait3A_547] : memref<2048x128xf32, #tpu.memory_space<vmem_shared>> -> memref<2048x128xf32, #tpu.memory_space<vmem_shared>>
      %dma_wait3A_549 = tpu.memref_slice %arg18[%dma_wait3A_545] : memref<4x!tpu.dma_semaphore, #tpu.memory_space<semaphore_mem>> -> memref<1x!tpu.dma_semaphore, #tpu.memory_space<semaphore_mem>>
      %dma_wait3A_550 = tpu.memref_squeeze %dma_wait3A_549 : memref<1x!tpu.dma_semaphore, #tpu.memory_space<semaphore_mem>> -> memref<!tpu.dma_semaphore, #tpu.memory_space<semaphore_mem>>
      tpu.wait_indirect_dma semaphore(%dma_wait3A_550 : memref<!tpu.dma_semaphore, #tpu.memory_space<semaphore_mem>>) src(%dma_wait3A_548 : memref<2048x128xf32, #tpu.memory_space<vmem_shared>>) dst(%arg13 : memref<128x128xf32, #tpu.memory_space<vmem>>)
      %add3A_551 = arith.constant 4 : i32
      %add3A_552 = arith.addi %add3A_544, %add3A_551 : i32
      %lt3A_553 = arith.constant 32 : i32
      %lt3A_554 = arith.cmpi slt, %add3A_552, %lt3A_553 : i32
      %convert_element_type3A_555 = arith.extui %lt3A_554 : i1 to i32
      %cond3A_556 = arith.constant 0 : i32
      %cond3A_557 = arith.cmpi ne, %convert_element_type3A_555, %cond3A_556 : i32
      scf.if %cond3A_557 {
        %add3A_745 = arith.constant 1 : i32
        %add3A_746 = arith.addi %scan3A_329, %add3A_745 : i32
        %dma_start3A_747 = arith.constant 2 : i32
        %dma_start3A_748 = arith.constant 2 : i32
        %dma_start3A_749 = arith.constant 0 : i32
        %dma_start3A_750 = tpu.memref_slice %arg3[%dma_start3A_747, %arg1, %add3A_746, %dma_start3A_749] : memref<4x16x8x128xi32, #tpu.memory_space<hbm>> -> memref<1x1x1x128xi32, #tpu.memory_space<hbm>>
        %dma_start3A_751 = tpu.memref_squeeze %dma_start3A_750 : memref<1x1x1x128xi32, #tpu.memory_space<hbm>> -> memref<128xi32, #tpu.memory_space<hbm>>
        %dma_start3A_752 = tpu.memref_slice %arg17[%dma_start3A_748] : memref<4x!tpu.dma_semaphore, #tpu.memory_space<semaphore_mem>> -> memref<1x!tpu.dma_semaphore, #tpu.memory_space<semaphore_mem>>
        %dma_start3A_753 = tpu.memref_squeeze %dma_start3A_752 : memref<1x!tpu.dma_semaphore, #tpu.memory_space<semaphore_mem>> -> memref<!tpu.dma_semaphore, #tpu.memory_space<semaphore_mem>>
        %dma_start3A_754 = arith.constant 0 : i32
        %dma_start3A_755 = tpu.memref_slice %arg3[%dma_start3A_747, %arg1, %add3A_746, %dma_start3A_754] : memref<4x16x8x128xi32, #tpu.memory_space<hbm>> -> memref<1x1x1x128xi32, #tpu.memory_space<hbm>>
        %dma_start3A_756 = tpu.memref_squeeze %dma_start3A_755 : memref<1x1x1x128xi32, #tpu.memory_space<hbm>> -> memref<128xi32, #tpu.memory_space<hbm>>
        tpu.enqueue_dma source(%dma_start3A_756 : memref<128xi32, #tpu.memory_space<hbm>>) target(%arg8 : memref<128xi32, #tpu.memory_space<vmem>>) target_semaphore(%dma_start3A_753 : memref<!tpu.dma_semaphore, #tpu.memory_space<semaphore_mem>>)
      } else {
      }
      %add3A_558 = arith.constant 1 : i32
      %add3A_559 = arith.addi %scan3A_329, %add3A_558 : i32
      %add3A_560 = arith.constant 2 : i32
      %add3A_561 = arith.addi %add3A_544, %add3A_560 : i32
      %lt3A_562 = arith.constant 32 : i32
      %lt3A_563 = arith.cmpi slt, %add3A_561, %lt3A_562 : i32
      %convert_element_type3A_564 = arith.extui %lt3A_563 : i1 to i32
      %cond3A_565 = arith.constant 0 : i32
      %cond3A_566 = arith.cmpi ne, %convert_element_type3A_564, %cond3A_565 : i32
      scf.if %cond3A_566 {
        %ge3A = arith.constant 2 : i32
        %ge3A_745 = arith.cmpi sge, %add3A_544, %ge3A : i32
        %convert_element_type3A_746 = arith.extui %ge3A_745 : i1 to i32
        %cond3A_747 = arith.constant 0 : i32
        %cond3A_748 = arith.cmpi ne, %convert_element_type3A_746, %cond3A_747 : i32
        scf.if %cond3A_748 {
          %dma_wait3A_755 = arith.constant 0 : i32
          %dma_wait3A_756 = arith.constant 0 : i32
          %dma_wait3A_757 = arith.constant 0 : i32
          %dma_wait3A_758 = tpu.memref_slice %arg11[%dma_wait3A_756, %dma_wait3A_757] : memref<128x128xf32, #tpu.memory_space<vmem>> -> memref<32x128xf32, #tpu.memory_space<vmem>>
          %dma_wait3A_759 = arith.constant 0 : i32
          %dma_wait3A_760 = arith.constant 0 : i32
          %dma_wait3A_761 = tpu.memref_slice %arg5[%dma_wait3A_759, %dma_wait3A_760] : memref<16384x1024xf32, #tpu.memory_space<hbm>> -> memref<32x128xf32, #tpu.memory_space<hbm>>
          %dma_wait3A_762 = tpu.memref_slice %arg19[%dma_wait3A_755] : memref<4x!tpu.dma_semaphore, #tpu.memory_space<semaphore_mem>> -> memref<1x!tpu.dma_semaphore, #tpu.memory_space<semaphore_mem>>
          %dma_wait3A_763 = tpu.memref_squeeze %dma_wait3A_762 : memref<1x!tpu.dma_semaphore, #tpu.memory_space<semaphore_mem>> -> memref<!tpu.dma_semaphore, #tpu.memory_space<semaphore_mem>>
          %dma_wait3A_764 = arith.constant 0 : i32
          %dma_wait3A_765 = arith.constant 0 : i32
          %dma_wait3A_766 = tpu.memref_slice %arg5[%dma_wait3A_764, %dma_wait3A_765] : memref<16384x1024xf32, #tpu.memory_space<hbm>> -> memref<32x128xf32, #tpu.memory_space<hbm>>
          %dma_wait3A_767 = arith.constant 0 : i32
          %dma_wait3A_768 = arith.constant 0 : i32
          %dma_wait3A_769 = tpu.memref_slice %arg11[%dma_wait3A_767, %dma_wait3A_768] : memref<128x128xf32, #tpu.memory_space<vmem>> -> memref<32x128xf32, #tpu.memory_space<vmem>>
          tpu.wait_dma2 semaphore(%dma_wait3A_763 : memref<!tpu.dma_semaphore, #tpu.memory_space<semaphore_mem>>) src(%dma_wait3A_769 : memref<32x128xf32, #tpu.memory_space<vmem>>) dst(%dma_wait3A_766 : memref<32x128xf32, #tpu.memory_space<hbm>>)
          %dma_wait3A_770 = arith.constant 0 : i32
          %dma_wait3A_771 = arith.constant 32 : i32
          %dma_wait3A_772 = arith.constant 0 : i32
          %dma_wait3A_773 = tpu.memref_slice %arg11[%dma_wait3A_771, %dma_wait3A_772] : memref<128x128xf32, #tpu.memory_space<vmem>> -> memref<32x128xf32, #tpu.memory_space<vmem>>
          %dma_wait3A_774 = arith.constant 0 : i32
          %dma_wait3A_775 = arith.constant 0 : i32
          %dma_wait3A_776 = tpu.memref_slice %arg5[%dma_wait3A_774, %dma_wait3A_775] : memref<16384x1024xf32, #tpu.memory_space<hbm>> -> memref<32x128xf32, #tpu.memory_space<hbm>>
          %dma_wait3A_777 = tpu.memref_slice %arg19[%dma_wait3A_770] : memref<4x!tpu.dma_semaphore, #tpu.memory_space<semaphore_mem>> -> memref<1x!tpu.dma_semaphore, #tpu.memory_space<semaphore_mem>>
          %dma_wait3A_778 = tpu.memref_squeeze %dma_wait3A_777 : memref<1x!tpu.dma_semaphore, #tpu.memory_space<semaphore_mem>> -> memref<!tpu.dma_semaphore, #tpu.memory_space<semaphore_mem>>
          %dma_wait3A_779 = arith.constant 0 : i32
          %dma_wait3A_780 = arith.constant 0 : i32
          %dma_wait3A_781 = tpu.memref_slice %arg5[%dma_wait3A_779, %dma_wait3A_780] : memref<16384x1024xf32, #tpu.memory_space<hbm>> -> memref<32x128xf32, #tpu.memory_space<hbm>>
          %dma_wait3A_782 = arith.constant 32 : i32
          %dma_wait3A_783 = arith.constant 0 : i32
          %dma_wait3A_784 = tpu.memref_slice %arg11[%dma_wait3A_782, %dma_wait3A_783] : memref<128x128xf32, #tpu.memory_space<vmem>> -> memref<32x128xf32, #tpu.memory_space<vmem>>
          tpu.wait_dma2 semaphore(%dma_wait3A_778 : memref<!tpu.dma_semaphore, #tpu.memory_space<semaphore_mem>>) src(%dma_wait3A_784 : memref<32x128xf32, #tpu.memory_space<vmem>>) dst(%dma_wait3A_781 : memref<32x128xf32, #tpu.memory_space<hbm>>)
          %dma_wait3A_785 = arith.constant 0 : i32
          %dma_wait3A_786 = arith.constant 64 : i32
          %dma_wait3A_787 = arith.constant 0 : i32
          %dma_wait3A_788 = tpu.memref_slice %arg11[%dma_wait3A_786, %dma_wait3A_787] : memref<128x128xf32, #tpu.memory_space<vmem>> -> memref<32x128xf32, #tpu.memory_space<vmem>>
          %dma_wait3A_789 = arith.constant 0 : i32
          %dma_wait3A_790 = arith.constant 0 : i32
          %dma_wait3A_791 = tpu.memref_slice %arg5[%dma_wait3A_789, %dma_wait3A_790] : memref<16384x1024xf32, #tpu.memory_space<hbm>> -> memref<32x128xf32, #tpu.memory_space<hbm>>
          %dma_wait3A_792 = tpu.memref_slice %arg19[%dma_wait3A_785] : memref<4x!tpu.dma_semaphore, #tpu.memory_space<semaphore_mem>> -> memref<1x!tpu.dma_semaphore, #tpu.memory_space<semaphore_mem>>
          %dma_wait3A_793 = tpu.memref_squeeze %dma_wait3A_792 : memref<1x!tpu.dma_semaphore, #tpu.memory_space<semaphore_mem>> -> memref<!tpu.dma_semaphore, #tpu.memory_space<semaphore_mem>>
          %dma_wait3A_794 = arith.constant 0 : i32
          %dma_wait3A_795 = arith.constant 0 : i32
          %dma_wait3A_796 = tpu.memref_slice %arg5[%dma_wait3A_794, %dma_wait3A_795] : memref<16384x1024xf32, #tpu.memory_space<hbm>> -> memref<32x128xf32, #tpu.memory_space<hbm>>
          %dma_wait3A_797 = arith.constant 64 : i32
          %dma_wait3A_798 = arith.constant 0 : i32
          %dma_wait3A_799 = tpu.memref_slice %arg11[%dma_wait3A_797, %dma_wait3A_798] : memref<128x128xf32, #tpu.memory_space<vmem>> -> memref<32x128xf32, #tpu.memory_space<vmem>>
          tpu.wait_dma2 semaphore(%dma_wait3A_793 : memref<!tpu.dma_semaphore, #tpu.memory_space<semaphore_mem>>) src(%dma_wait3A_799 : memref<32x128xf32, #tpu.memory_space<vmem>>) dst(%dma_wait3A_796 : memref<32x128xf32, #tpu.memory_space<hbm>>)
          %dma_wait3A_800 = arith.constant 0 : i32
          %dma_wait3A_801 = arith.constant 96 : i32
          %dma_wait3A_802 = arith.constant 0 : i32
          %dma_wait3A_803 = tpu.memref_slice %arg11[%dma_wait3A_801, %dma_wait3A_802] : memref<128x128xf32, #tpu.memory_space<vmem>> -> memref<32x128xf32, #tpu.memory_space<vmem>>
          %dma_wait3A_804 = arith.constant 0 : i32
          %dma_wait3A_805 = arith.constant 0 : i32
          %dma_wait3A_806 = tpu.memref_slice %arg5[%dma_wait3A_804, %dma_wait3A_805] : memref<16384x1024xf32, #tpu.memory_space<hbm>> -> memref<32x128xf32, #tpu.memory_space<hbm>>
          %dma_wait3A_807 = tpu.memref_slice %arg19[%dma_wait3A_800] : memref<4x!tpu.dma_semaphore, #tpu.memory_space<semaphore_mem>> -> memref<1x!tpu.dma_semaphore, #tpu.memory_space<semaphore_mem>>
          %dma_wait3A_808 = tpu.memref_squeeze %dma_wait3A_807 : memref<1x!tpu.dma_semaphore, #tpu.memory_space<semaphore_mem>> -> memref<!tpu.dma_semaphore, #tpu.memory_space<semaphore_mem>>
          %dma_wait3A_809 = arith.constant 0 : i32
          %dma_wait3A_810 = arith.constant 0 : i32
          %dma_wait3A_811 = tpu.memref_slice %arg5[%dma_wait3A_809, %dma_wait3A_810] : memref<16384x1024xf32, #tpu.memory_space<hbm>> -> memref<32x128xf32, #tpu.memory_space<hbm>>
          %dma_wait3A_812 = arith.constant 96 : i32
          %dma_wait3A_813 = arith.constant 0 : i32
          %dma_wait3A_814 = tpu.memref_slice %arg11[%dma_wait3A_812, %dma_wait3A_813] : memref<128x128xf32, #tpu.memory_space<vmem>> -> memref<32x128xf32, #tpu.memory_space<vmem>>
          tpu.wait_dma2 semaphore(%dma_wait3A_808 : memref<!tpu.dma_semaphore, #tpu.memory_space<semaphore_mem>>) src(%dma_wait3A_814 : memref<32x128xf32, #tpu.memory_space<vmem>>) dst(%dma_wait3A_811 : memref<32x128xf32, #tpu.memory_space<hbm>>)
          %dma_wait3A_815 = arith.constant 0 : i32
          %dma_wait3A_816 = arith.constant 0 : i32
          %dma_wait3A_817 = arith.constant 0 : i32
          %dma_wait3A_818 = arith.constant 0 : i32
          %dma_wait3A_819 = arith.constant 0 : i32
          %dma_wait3A_820 = tpu.memref_slice %arg3[%dma_wait3A_815, %dma_wait3A_816, %dma_wait3A_817, %dma_wait3A_819] : memref<4x16x8x128xi32, #tpu.memory_space<hbm>> -> memref<1x1x1x128xi32, #tpu.memory_space<hbm>>
          %dma_wait3A_821 = tpu.memref_squeeze %dma_wait3A_820 : memref<1x1x1x128xi32, #tpu.memory_space<hbm>> -> memref<128xi32, #tpu.memory_space<hbm>>
          %dma_wait3A_822 = tpu.memref_slice %arg17[%dma_wait3A_818] : memref<4x!tpu.dma_semaphore, #tpu.memory_space<semaphore_mem>> -> memref<1x!tpu.dma_semaphore, #tpu.memory_space<semaphore_mem>>
          %dma_wait3A_823 = tpu.memref_squeeze %dma_wait3A_822 : memref<1x!tpu.dma_semaphore, #tpu.memory_space<semaphore_mem>> -> memref<!tpu.dma_semaphore, #tpu.memory_space<semaphore_mem>>
          %dma_wait3A_824 = arith.constant 0 : i32
          %dma_wait3A_825 = tpu.memref_slice %arg3[%dma_wait3A_815, %dma_wait3A_816, %dma_wait3A_817, %dma_wait3A_824] : memref<4x16x8x128xi32, #tpu.memory_space<hbm>> -> memref<1x1x1x128xi32, #tpu.memory_space<hbm>>
          %dma_wait3A_826 = tpu.memref_squeeze %dma_wait3A_825 : memref<1x1x1x128xi32, #tpu.memory_space<hbm>> -> memref<128xi32, #tpu.memory_space<hbm>>
          tpu.wait_dma2 semaphore(%dma_wait3A_823 : memref<!tpu.dma_semaphore, #tpu.memory_space<semaphore_mem>>) src(%dma_wait3A_826 : memref<128xi32, #tpu.memory_space<hbm>>) dst(%arg6 : memref<128xi32, #tpu.memory_space<vmem>>)
        } else {
        }
        %dma_start3A_749 = arith.constant 0 : i32
        %dma_start3A_750 = arith.constant 0 : i32
        %dma_start3A_751 = arith.constant 0 : i32
        %dma_start3A_752 = tpu.memref_slice %arg15[%dma_start3A_750, %dma_start3A_751] : memref<2048x128xf32, #tpu.memory_space<vmem_shared>> -> memref<2048x128xf32, #tpu.memory_space<vmem_shared>>
        %dma_start3A_753 = tpu.memref_slice %arg18[%dma_start3A_749] : memref<4x!tpu.dma_semaphore, #tpu.memory_space<semaphore_mem>> -> memref<1x!tpu.dma_semaphore, #tpu.memory_space<semaphore_mem>>
        %dma_start3A_754 = tpu.memref_squeeze %dma_start3A_753 : memref<1x!tpu.dma_semaphore, #tpu.memory_space<semaphore_mem>> -> memref<!tpu.dma_semaphore, #tpu.memory_space<semaphore_mem>>
        tpu.enqueue_indirect_dma source(%dma_start3A_752 : memref<2048x128xf32, #tpu.memory_space<vmem_shared>>) target(%arg11 : memref<128x128xf32, #tpu.memory_space<vmem>>) offsets(%arg6 : memref<128xi32, #tpu.memory_space<vmem>>) semaphore(%dma_start3A_754 : memref<!tpu.dma_semaphore, #tpu.memory_space<semaphore_mem>>)
      } else {
      }
      %add3A_567 = arith.constant 8192 : i32
      %add3A_568 = arith.addi %add3A_567, %mul3A_2 : i32
      %mul3A_569 = arith.constant 32 : i32
      %mul3A_570 = arith.muli %scan3A_329, %mul3A_569 : i32
      %add3A_571 = arith.addi %add3A_568, %mul3A_570 : i32
      %add3A_572 = arith.constant 0 : i32
      %add3A_573 = arith.addi %mul3A_0, %add3A_572 : i32
      %dma_start3A_574 = arith.constant 2 : i32
      %dma_start3A_575 = arith.constant 0 : i32
      %dma_start3A_576 = arith.constant 0 : i32
      %dma_start3A_577 = tpu.memref_slice %arg13[%dma_start3A_575, %dma_start3A_576] : memref<128x128xf32, #tpu.memory_space<vmem>> -> memref<32x128xf32, #tpu.memory_space<vmem>>
      %dma_start3A_578 = tpu.memref_slice %arg5[%add3A_571, %add3A_573] : memref<16384x1024xf32, #tpu.memory_space<hbm>> -> memref<32x128xf32, #tpu.memory_space<hbm>>
      %dma_start3A_579 = tpu.memref_slice %arg19[%dma_start3A_574] : memref<4x!tpu.dma_semaphore, #tpu.memory_space<semaphore_mem>> -> memref<1x!tpu.dma_semaphore, #tpu.memory_space<semaphore_mem>>
      %dma_start3A_580 = tpu.memref_squeeze %dma_start3A_579 : memref<1x!tpu.dma_semaphore, #tpu.memory_space<semaphore_mem>> -> memref<!tpu.dma_semaphore, #tpu.memory_space<semaphore_mem>>
      %dma_start3A_581 = tpu.memref_slice %arg5[%add3A_571, %add3A_573] : memref<16384x1024xf32, #tpu.memory_space<hbm>> -> memref<32x128xf32, #tpu.memory_space<hbm>>
      %dma_start3A_582 = arith.constant 0 : i32
      %dma_start3A_583 = arith.constant 0 : i32
      %dma_start3A_584 = tpu.memref_slice %arg13[%dma_start3A_582, %dma_start3A_583] : memref<128x128xf32, #tpu.memory_space<vmem>> -> memref<32x128xf32, #tpu.memory_space<vmem>>
      tpu.enqueue_dma source(%dma_start3A_584 : memref<32x128xf32, #tpu.memory_space<vmem>>) target(%dma_start3A_581 : memref<32x128xf32, #tpu.memory_space<hbm>>) target_semaphore(%dma_start3A_580 : memref<!tpu.dma_semaphore, #tpu.memory_space<semaphore_mem>>)
      %add3A_585 = arith.constant 8192 : i32
      %add3A_586 = arith.addi %add3A_585, %mul3A_2 : i32
      %mul3A_587 = arith.constant 32 : i32
      %mul3A_588 = arith.muli %scan3A_329, %mul3A_587 : i32
      %add3A_589 = arith.addi %add3A_586, %mul3A_588 : i32
      %add3A_590 = arith.constant 128 : i32
      %add3A_591 = arith.addi %mul3A_0, %add3A_590 : i32
      %dma_start3A_592 = arith.constant 2 : i32
      %dma_start3A_593 = arith.constant 32 : i32
      %dma_start3A_594 = arith.constant 0 : i32
      %dma_start3A_595 = tpu.memref_slice %arg13[%dma_start3A_593, %dma_start3A_594] : memref<128x128xf32, #tpu.memory_space<vmem>> -> memref<32x128xf32, #tpu.memory_space<vmem>>
      %dma_start3A_596 = tpu.memref_slice %arg5[%add3A_589, %add3A_591] : memref<16384x1024xf32, #tpu.memory_space<hbm>> -> memref<32x128xf32, #tpu.memory_space<hbm>>
      %dma_start3A_597 = tpu.memref_slice %arg19[%dma_start3A_592] : memref<4x!tpu.dma_semaphore, #tpu.memory_space<semaphore_mem>> -> memref<1x!tpu.dma_semaphore, #tpu.memory_space<semaphore_mem>>
      %dma_start3A_598 = tpu.memref_squeeze %dma_start3A_597 : memref<1x!tpu.dma_semaphore, #tpu.memory_space<semaphore_mem>> -> memref<!tpu.dma_semaphore, #tpu.memory_space<semaphore_mem>>
      %dma_start3A_599 = tpu.memref_slice %arg5[%add3A_589, %add3A_591] : memref<16384x1024xf32, #tpu.memory_space<hbm>> -> memref<32x128xf32, #tpu.memory_space<hbm>>
      %dma_start3A_600 = arith.constant 32 : i32
      %dma_start3A_601 = arith.constant 0 : i32
      %dma_start3A_602 = tpu.memref_slice %arg13[%dma_start3A_600, %dma_start3A_601] : memref<128x128xf32, #tpu.memory_space<vmem>> -> memref<32x128xf32, #tpu.memory_space<vmem>>
      tpu.enqueue_dma source(%dma_start3A_602 : memref<32x128xf32, #tpu.memory_space<vmem>>) target(%dma_start3A_599 : memref<32x128xf32, #tpu.memory_space<hbm>>) target_semaphore(%dma_start3A_598 : memref<!tpu.dma_semaphore, #tpu.memory_space<semaphore_mem>>)
      %add3A_603 = arith.constant 8192 : i32
      %add3A_604 = arith.addi %add3A_603, %mul3A_2 : i32
      %mul3A_605 = arith.constant 32 : i32
      %mul3A_606 = arith.muli %scan3A_329, %mul3A_605 : i32
      %add3A_607 = arith.addi %add3A_604, %mul3A_606 : i32
      %add3A_608 = arith.constant 256 : i32
      %add3A_609 = arith.addi %mul3A_0, %add3A_608 : i32
      %dma_start3A_610 = arith.constant 2 : i32
      %dma_start3A_611 = arith.constant 64 : i32
      %dma_start3A_612 = arith.constant 0 : i32
      %dma_start3A_613 = tpu.memref_slice %arg13[%dma_start3A_611, %dma_start3A_612] : memref<128x128xf32, #tpu.memory_space<vmem>> -> memref<32x128xf32, #tpu.memory_space<vmem>>
      %dma_start3A_614 = tpu.memref_slice %arg5[%add3A_607, %add3A_609] : memref<16384x1024xf32, #tpu.memory_space<hbm>> -> memref<32x128xf32, #tpu.memory_space<hbm>>
      %dma_start3A_615 = tpu.memref_slice %arg19[%dma_start3A_610] : memref<4x!tpu.dma_semaphore, #tpu.memory_space<semaphore_mem>> -> memref<1x!tpu.dma_semaphore, #tpu.memory_space<semaphore_mem>>
      %dma_start3A_616 = tpu.memref_squeeze %dma_start3A_615 : memref<1x!tpu.dma_semaphore, #tpu.memory_space<semaphore_mem>> -> memref<!tpu.dma_semaphore, #tpu.memory_space<semaphore_mem>>
      %dma_start3A_617 = tpu.memref_slice %arg5[%add3A_607, %add3A_609] : memref<16384x1024xf32, #tpu.memory_space<hbm>> -> memref<32x128xf32, #tpu.memory_space<hbm>>
      %dma_start3A_618 = arith.constant 64 : i32
      %dma_start3A_619 = arith.constant 0 : i32
      %dma_start3A_620 = tpu.memref_slice %arg13[%dma_start3A_618, %dma_start3A_619] : memref<128x128xf32, #tpu.memory_space<vmem>> -> memref<32x128xf32, #tpu.memory_space<vmem>>
      tpu.enqueue_dma source(%dma_start3A_620 : memref<32x128xf32, #tpu.memory_space<vmem>>) target(%dma_start3A_617 : memref<32x128xf32, #tpu.memory_space<hbm>>) target_semaphore(%dma_start3A_616 : memref<!tpu.dma_semaphore, #tpu.memory_space<semaphore_mem>>)
      %add3A_621 = arith.constant 8192 : i32
      %add3A_622 = arith.addi %add3A_621, %mul3A_2 : i32
      %mul3A_623 = arith.constant 32 : i32
      %mul3A_624 = arith.muli %scan3A_329, %mul3A_623 : i32
      %add3A_625 = arith.addi %add3A_622, %mul3A_624 : i32
      %add3A_626 = arith.constant 384 : i32
      %add3A_627 = arith.addi %mul3A_0, %add3A_626 : i32
      %dma_start3A_628 = arith.constant 2 : i32
      %dma_start3A_629 = arith.constant 96 : i32
      %dma_start3A_630 = arith.constant 0 : i32
      %dma_start3A_631 = tpu.memref_slice %arg13[%dma_start3A_629, %dma_start3A_630] : memref<128x128xf32, #tpu.memory_space<vmem>> -> memref<32x128xf32, #tpu.memory_space<vmem>>
      %dma_start3A_632 = tpu.memref_slice %arg5[%add3A_625, %add3A_627] : memref<16384x1024xf32, #tpu.memory_space<hbm>> -> memref<32x128xf32, #tpu.memory_space<hbm>>
      %dma_start3A_633 = tpu.memref_slice %arg19[%dma_start3A_628] : memref<4x!tpu.dma_semaphore, #tpu.memory_space<semaphore_mem>> -> memref<1x!tpu.dma_semaphore, #tpu.memory_space<semaphore_mem>>
      %dma_start3A_634 = tpu.memref_squeeze %dma_start3A_633 : memref<1x!tpu.dma_semaphore, #tpu.memory_space<semaphore_mem>> -> memref<!tpu.dma_semaphore, #tpu.memory_space<semaphore_mem>>
      %dma_start3A_635 = tpu.memref_slice %arg5[%add3A_625, %add3A_627] : memref<16384x1024xf32, #tpu.memory_space<hbm>> -> memref<32x128xf32, #tpu.memory_space<hbm>>
      %dma_start3A_636 = arith.constant 96 : i32
      %dma_start3A_637 = arith.constant 0 : i32
      %dma_start3A_638 = tpu.memref_slice %arg13[%dma_start3A_636, %dma_start3A_637] : memref<128x128xf32, #tpu.memory_space<vmem>> -> memref<32x128xf32, #tpu.memory_space<vmem>>
      tpu.enqueue_dma source(%dma_start3A_638 : memref<32x128xf32, #tpu.memory_space<vmem>>) target(%dma_start3A_635 : memref<32x128xf32, #tpu.memory_space<hbm>>) target_semaphore(%dma_start3A_634 : memref<!tpu.dma_semaphore, #tpu.memory_space<semaphore_mem>>)
      %mul3A_639 = arith.constant 4 : i32
      %mul3A_640 = arith.muli %scan3A_329, %mul3A_639 : i32
      %add3A_641 = arith.constant 3 : i32
      %add3A_642 = arith.addi %mul3A_640, %add3A_641 : i32
      %dma_wait3A_643 = arith.constant 3 : i32
      %dma_wait3A_644 = arith.constant 0 : i32
      %dma_wait3A_645 = arith.constant 0 : i32
      %dma_wait3A_646 = tpu.memref_slice %arg15[%dma_wait3A_644, %dma_wait3A_645] : memref<2048x128xf32, #tpu.memory_space<vmem_shared>> -> memref<2048x128xf32, #tpu.memory_space<vmem_shared>>
      %dma_wait3A_647 = tpu.memref_slice %arg18[%dma_wait3A_643] : memref<4x!tpu.dma_semaphore, #tpu.memory_space<semaphore_mem>> -> memref<1x!tpu.dma_semaphore, #tpu.memory_space<semaphore_mem>>
      %dma_wait3A_648 = tpu.memref_squeeze %dma_wait3A_647 : memref<1x!tpu.dma_semaphore, #tpu.memory_space<semaphore_mem>> -> memref<!tpu.dma_semaphore, #tpu.memory_space<semaphore_mem>>
      tpu.wait_indirect_dma semaphore(%dma_wait3A_648 : memref<!tpu.dma_semaphore, #tpu.memory_space<semaphore_mem>>) src(%dma_wait3A_646 : memref<2048x128xf32, #tpu.memory_space<vmem_shared>>) dst(%arg14 : memref<128x128xf32, #tpu.memory_space<vmem>>)
      %add3A_649 = arith.constant 4 : i32
      %add3A_650 = arith.addi %add3A_642, %add3A_649 : i32
      %lt3A_651 = arith.constant 32 : i32
      %lt3A_652 = arith.cmpi slt, %add3A_650, %lt3A_651 : i32
      %convert_element_type3A_653 = arith.extui %lt3A_652 : i1 to i32
      %cond3A_654 = arith.constant 0 : i32
      %cond3A_655 = arith.cmpi ne, %convert_element_type3A_653, %cond3A_654 : i32
      scf.if %cond3A_655 {
        %add3A_745 = arith.constant 1 : i32
        %add3A_746 = arith.addi %scan3A_329, %add3A_745 : i32
        %dma_start3A_747 = arith.constant 3 : i32
        %dma_start3A_748 = arith.constant 3 : i32
        %dma_start3A_749 = arith.constant 0 : i32
        %dma_start3A_750 = tpu.memref_slice %arg3[%dma_start3A_747, %arg1, %add3A_746, %dma_start3A_749] : memref<4x16x8x128xi32, #tpu.memory_space<hbm>> -> memref<1x1x1x128xi32, #tpu.memory_space<hbm>>
        %dma_start3A_751 = tpu.memref_squeeze %dma_start3A_750 : memref<1x1x1x128xi32, #tpu.memory_space<hbm>> -> memref<128xi32, #tpu.memory_space<hbm>>
        %dma_start3A_752 = tpu.memref_slice %arg17[%dma_start3A_748] : memref<4x!tpu.dma_semaphore, #tpu.memory_space<semaphore_mem>> -> memref<1x!tpu.dma_semaphore, #tpu.memory_space<semaphore_mem>>
        %dma_start3A_753 = tpu.memref_squeeze %dma_start3A_752 : memref<1x!tpu.dma_semaphore, #tpu.memory_space<semaphore_mem>> -> memref<!tpu.dma_semaphore, #tpu.memory_space<semaphore_mem>>
        %dma_start3A_754 = arith.constant 0 : i32
        %dma_start3A_755 = tpu.memref_slice %arg3[%dma_start3A_747, %arg1, %add3A_746, %dma_start3A_754] : memref<4x16x8x128xi32, #tpu.memory_space<hbm>> -> memref<1x1x1x128xi32, #tpu.memory_space<hbm>>
        %dma_start3A_756 = tpu.memref_squeeze %dma_start3A_755 : memref<1x1x1x128xi32, #tpu.memory_space<hbm>> -> memref<128xi32, #tpu.memory_space<hbm>>
        tpu.enqueue_dma source(%dma_start3A_756 : memref<128xi32, #tpu.memory_space<hbm>>) target(%arg9 : memref<128xi32, #tpu.memory_space<vmem>>) target_semaphore(%dma_start3A_753 : memref<!tpu.dma_semaphore, #tpu.memory_space<semaphore_mem>>)
      } else {
      }
      %add3A_656 = arith.constant 1 : i32
      %add3A_657 = arith.addi %scan3A_329, %add3A_656 : i32
      %add3A_658 = arith.constant 2 : i32
      %add3A_659 = arith.addi %add3A_642, %add3A_658 : i32
      %lt3A_660 = arith.constant 32 : i32
      %lt3A_661 = arith.cmpi slt, %add3A_659, %lt3A_660 : i32
      %convert_element_type3A_662 = arith.extui %lt3A_661 : i1 to i32
      %cond3A_663 = arith.constant 0 : i32
      %cond3A_664 = arith.cmpi ne, %convert_element_type3A_662, %cond3A_663 : i32
      scf.if %cond3A_664 {
        %ge3A = arith.constant 2 : i32
        %ge3A_745 = arith.cmpi sge, %add3A_642, %ge3A : i32
        %convert_element_type3A_746 = arith.extui %ge3A_745 : i1 to i32
        %cond3A_747 = arith.constant 0 : i32
        %cond3A_748 = arith.cmpi ne, %convert_element_type3A_746, %cond3A_747 : i32
        scf.if %cond3A_748 {
          %dma_wait3A_755 = arith.constant 1 : i32
          %dma_wait3A_756 = arith.constant 0 : i32
          %dma_wait3A_757 = arith.constant 0 : i32
          %dma_wait3A_758 = tpu.memref_slice %arg12[%dma_wait3A_756, %dma_wait3A_757] : memref<128x128xf32, #tpu.memory_space<vmem>> -> memref<32x128xf32, #tpu.memory_space<vmem>>
          %dma_wait3A_759 = arith.constant 0 : i32
          %dma_wait3A_760 = arith.constant 0 : i32
          %dma_wait3A_761 = tpu.memref_slice %arg5[%dma_wait3A_759, %dma_wait3A_760] : memref<16384x1024xf32, #tpu.memory_space<hbm>> -> memref<32x128xf32, #tpu.memory_space<hbm>>
          %dma_wait3A_762 = tpu.memref_slice %arg19[%dma_wait3A_755] : memref<4x!tpu.dma_semaphore, #tpu.memory_space<semaphore_mem>> -> memref<1x!tpu.dma_semaphore, #tpu.memory_space<semaphore_mem>>
          %dma_wait3A_763 = tpu.memref_squeeze %dma_wait3A_762 : memref<1x!tpu.dma_semaphore, #tpu.memory_space<semaphore_mem>> -> memref<!tpu.dma_semaphore, #tpu.memory_space<semaphore_mem>>
          %dma_wait3A_764 = arith.constant 0 : i32
          %dma_wait3A_765 = arith.constant 0 : i32
          %dma_wait3A_766 = tpu.memref_slice %arg5[%dma_wait3A_764, %dma_wait3A_765] : memref<16384x1024xf32, #tpu.memory_space<hbm>> -> memref<32x128xf32, #tpu.memory_space<hbm>>
          %dma_wait3A_767 = arith.constant 0 : i32
          %dma_wait3A_768 = arith.constant 0 : i32
          %dma_wait3A_769 = tpu.memref_slice %arg12[%dma_wait3A_767, %dma_wait3A_768] : memref<128x128xf32, #tpu.memory_space<vmem>> -> memref<32x128xf32, #tpu.memory_space<vmem>>
          tpu.wait_dma2 semaphore(%dma_wait3A_763 : memref<!tpu.dma_semaphore, #tpu.memory_space<semaphore_mem>>) src(%dma_wait3A_769 : memref<32x128xf32, #tpu.memory_space<vmem>>) dst(%dma_wait3A_766 : memref<32x128xf32, #tpu.memory_space<hbm>>)
          %dma_wait3A_770 = arith.constant 1 : i32
          %dma_wait3A_771 = arith.constant 32 : i32
          %dma_wait3A_772 = arith.constant 0 : i32
          %dma_wait3A_773 = tpu.memref_slice %arg12[%dma_wait3A_771, %dma_wait3A_772] : memref<128x128xf32, #tpu.memory_space<vmem>> -> memref<32x128xf32, #tpu.memory_space<vmem>>
          %dma_wait3A_774 = arith.constant 0 : i32
          %dma_wait3A_775 = arith.constant 0 : i32
          %dma_wait3A_776 = tpu.memref_slice %arg5[%dma_wait3A_774, %dma_wait3A_775] : memref<16384x1024xf32, #tpu.memory_space<hbm>> -> memref<32x128xf32, #tpu.memory_space<hbm>>
          %dma_wait3A_777 = tpu.memref_slice %arg19[%dma_wait3A_770] : memref<4x!tpu.dma_semaphore, #tpu.memory_space<semaphore_mem>> -> memref<1x!tpu.dma_semaphore, #tpu.memory_space<semaphore_mem>>
          %dma_wait3A_778 = tpu.memref_squeeze %dma_wait3A_777 : memref<1x!tpu.dma_semaphore, #tpu.memory_space<semaphore_mem>> -> memref<!tpu.dma_semaphore, #tpu.memory_space<semaphore_mem>>
          %dma_wait3A_779 = arith.constant 0 : i32
          %dma_wait3A_780 = arith.constant 0 : i32
          %dma_wait3A_781 = tpu.memref_slice %arg5[%dma_wait3A_779, %dma_wait3A_780] : memref<16384x1024xf32, #tpu.memory_space<hbm>> -> memref<32x128xf32, #tpu.memory_space<hbm>>
          %dma_wait3A_782 = arith.constant 32 : i32
          %dma_wait3A_783 = arith.constant 0 : i32
          %dma_wait3A_784 = tpu.memref_slice %arg12[%dma_wait3A_782, %dma_wait3A_783] : memref<128x128xf32, #tpu.memory_space<vmem>> -> memref<32x128xf32, #tpu.memory_space<vmem>>
          tpu.wait_dma2 semaphore(%dma_wait3A_778 : memref<!tpu.dma_semaphore, #tpu.memory_space<semaphore_mem>>) src(%dma_wait3A_784 : memref<32x128xf32, #tpu.memory_space<vmem>>) dst(%dma_wait3A_781 : memref<32x128xf32, #tpu.memory_space<hbm>>)
          %dma_wait3A_785 = arith.constant 1 : i32
          %dma_wait3A_786 = arith.constant 64 : i32
          %dma_wait3A_787 = arith.constant 0 : i32
          %dma_wait3A_788 = tpu.memref_slice %arg12[%dma_wait3A_786, %dma_wait3A_787] : memref<128x128xf32, #tpu.memory_space<vmem>> -> memref<32x128xf32, #tpu.memory_space<vmem>>
          %dma_wait3A_789 = arith.constant 0 : i32
          %dma_wait3A_790 = arith.constant 0 : i32
          %dma_wait3A_791 = tpu.memref_slice %arg5[%dma_wait3A_789, %dma_wait3A_790] : memref<16384x1024xf32, #tpu.memory_space<hbm>> -> memref<32x128xf32, #tpu.memory_space<hbm>>
          %dma_wait3A_792 = tpu.memref_slice %arg19[%dma_wait3A_785] : memref<4x!tpu.dma_semaphore, #tpu.memory_space<semaphore_mem>> -> memref<1x!tpu.dma_semaphore, #tpu.memory_space<semaphore_mem>>
          %dma_wait3A_793 = tpu.memref_squeeze %dma_wait3A_792 : memref<1x!tpu.dma_semaphore, #tpu.memory_space<semaphore_mem>> -> memref<!tpu.dma_semaphore, #tpu.memory_space<semaphore_mem>>
          %dma_wait3A_794 = arith.constant 0 : i32
          %dma_wait3A_795 = arith.constant 0 : i32
          %dma_wait3A_796 = tpu.memref_slice %arg5[%dma_wait3A_794, %dma_wait3A_795] : memref<16384x1024xf32, #tpu.memory_space<hbm>> -> memref<32x128xf32, #tpu.memory_space<hbm>>
          %dma_wait3A_797 = arith.constant 64 : i32
          %dma_wait3A_798 = arith.constant 0 : i32
          %dma_wait3A_799 = tpu.memref_slice %arg12[%dma_wait3A_797, %dma_wait3A_798] : memref<128x128xf32, #tpu.memory_space<vmem>> -> memref<32x128xf32, #tpu.memory_space<vmem>>
          tpu.wait_dma2 semaphore(%dma_wait3A_793 : memref<!tpu.dma_semaphore, #tpu.memory_space<semaphore_mem>>) src(%dma_wait3A_799 : memref<32x128xf32, #tpu.memory_space<vmem>>) dst(%dma_wait3A_796 : memref<32x128xf32, #tpu.memory_space<hbm>>)
          %dma_wait3A_800 = arith.constant 1 : i32
          %dma_wait3A_801 = arith.constant 96 : i32
          %dma_wait3A_802 = arith.constant 0 : i32
          %dma_wait3A_803 = tpu.memref_slice %arg12[%dma_wait3A_801, %dma_wait3A_802] : memref<128x128xf32, #tpu.memory_space<vmem>> -> memref<32x128xf32, #tpu.memory_space<vmem>>
          %dma_wait3A_804 = arith.constant 0 : i32
          %dma_wait3A_805 = arith.constant 0 : i32
          %dma_wait3A_806 = tpu.memref_slice %arg5[%dma_wait3A_804, %dma_wait3A_805] : memref<16384x1024xf32, #tpu.memory_space<hbm>> -> memref<32x128xf32, #tpu.memory_space<hbm>>
          %dma_wait3A_807 = tpu.memref_slice %arg19[%dma_wait3A_800] : memref<4x!tpu.dma_semaphore, #tpu.memory_space<semaphore_mem>> -> memref<1x!tpu.dma_semaphore, #tpu.memory_space<semaphore_mem>>
          %dma_wait3A_808 = tpu.memref_squeeze %dma_wait3A_807 : memref<1x!tpu.dma_semaphore, #tpu.memory_space<semaphore_mem>> -> memref<!tpu.dma_semaphore, #tpu.memory_space<semaphore_mem>>
          %dma_wait3A_809 = arith.constant 0 : i32
          %dma_wait3A_810 = arith.constant 0 : i32
          %dma_wait3A_811 = tpu.memref_slice %arg5[%dma_wait3A_809, %dma_wait3A_810] : memref<16384x1024xf32, #tpu.memory_space<hbm>> -> memref<32x128xf32, #tpu.memory_space<hbm>>
          %dma_wait3A_812 = arith.constant 96 : i32
          %dma_wait3A_813 = arith.constant 0 : i32
          %dma_wait3A_814 = tpu.memref_slice %arg12[%dma_wait3A_812, %dma_wait3A_813] : memref<128x128xf32, #tpu.memory_space<vmem>> -> memref<32x128xf32, #tpu.memory_space<vmem>>
          tpu.wait_dma2 semaphore(%dma_wait3A_808 : memref<!tpu.dma_semaphore, #tpu.memory_space<semaphore_mem>>) src(%dma_wait3A_814 : memref<32x128xf32, #tpu.memory_space<vmem>>) dst(%dma_wait3A_811 : memref<32x128xf32, #tpu.memory_space<hbm>>)
          %dma_wait3A_815 = arith.constant 0 : i32
          %dma_wait3A_816 = arith.constant 0 : i32
          %dma_wait3A_817 = arith.constant 0 : i32
          %dma_wait3A_818 = arith.constant 1 : i32
          %dma_wait3A_819 = arith.constant 0 : i32
          %dma_wait3A_820 = tpu.memref_slice %arg3[%dma_wait3A_815, %dma_wait3A_816, %dma_wait3A_817, %dma_wait3A_819] : memref<4x16x8x128xi32, #tpu.memory_space<hbm>> -> memref<1x1x1x128xi32, #tpu.memory_space<hbm>>
          %dma_wait3A_821 = tpu.memref_squeeze %dma_wait3A_820 : memref<1x1x1x128xi32, #tpu.memory_space<hbm>> -> memref<128xi32, #tpu.memory_space<hbm>>
          %dma_wait3A_822 = tpu.memref_slice %arg17[%dma_wait3A_818] : memref<4x!tpu.dma_semaphore, #tpu.memory_space<semaphore_mem>> -> memref<1x!tpu.dma_semaphore, #tpu.memory_space<semaphore_mem>>
          %dma_wait3A_823 = tpu.memref_squeeze %dma_wait3A_822 : memref<1x!tpu.dma_semaphore, #tpu.memory_space<semaphore_mem>> -> memref<!tpu.dma_semaphore, #tpu.memory_space<semaphore_mem>>
          %dma_wait3A_824 = arith.constant 0 : i32
          %dma_wait3A_825 = tpu.memref_slice %arg3[%dma_wait3A_815, %dma_wait3A_816, %dma_wait3A_817, %dma_wait3A_824] : memref<4x16x8x128xi32, #tpu.memory_space<hbm>> -> memref<1x1x1x128xi32, #tpu.memory_space<hbm>>
          %dma_wait3A_826 = tpu.memref_squeeze %dma_wait3A_825 : memref<1x1x1x128xi32, #tpu.memory_space<hbm>> -> memref<128xi32, #tpu.memory_space<hbm>>
          tpu.wait_dma2 semaphore(%dma_wait3A_823 : memref<!tpu.dma_semaphore, #tpu.memory_space<semaphore_mem>>) src(%dma_wait3A_826 : memref<128xi32, #tpu.memory_space<hbm>>) dst(%arg7 : memref<128xi32, #tpu.memory_space<vmem>>)
        } else {
        }
        %dma_start3A_749 = arith.constant 1 : i32
        %dma_start3A_750 = arith.constant 0 : i32
        %dma_start3A_751 = arith.constant 0 : i32
        %dma_start3A_752 = tpu.memref_slice %arg15[%dma_start3A_750, %dma_start3A_751] : memref<2048x128xf32, #tpu.memory_space<vmem_shared>> -> memref<2048x128xf32, #tpu.memory_space<vmem_shared>>
        %dma_start3A_753 = tpu.memref_slice %arg18[%dma_start3A_749] : memref<4x!tpu.dma_semaphore, #tpu.memory_space<semaphore_mem>> -> memref<1x!tpu.dma_semaphore, #tpu.memory_space<semaphore_mem>>
        %dma_start3A_754 = tpu.memref_squeeze %dma_start3A_753 : memref<1x!tpu.dma_semaphore, #tpu.memory_space<semaphore_mem>> -> memref<!tpu.dma_semaphore, #tpu.memory_space<semaphore_mem>>
        tpu.enqueue_indirect_dma source(%dma_start3A_752 : memref<2048x128xf32, #tpu.memory_space<vmem_shared>>) target(%arg12 : memref<128x128xf32, #tpu.memory_space<vmem>>) offsets(%arg7 : memref<128xi32, #tpu.memory_space<vmem>>) semaphore(%dma_start3A_754 : memref<!tpu.dma_semaphore, #tpu.memory_space<semaphore_mem>>)
      } else {
      }
      %add3A_665 = arith.constant 12288 : i32
      %add3A_666 = arith.addi %add3A_665, %mul3A_2 : i32
      %mul3A_667 = arith.constant 32 : i32
      %mul3A_668 = arith.muli %scan3A_329, %mul3A_667 : i32
      %add3A_669 = arith.addi %add3A_666, %mul3A_668 : i32
      %add3A_670 = arith.constant 0 : i32
      %add3A_671 = arith.addi %mul3A_0, %add3A_670 : i32
      %dma_start3A_672 = arith.constant 3 : i32
      %dma_start3A_673 = arith.constant 0 : i32
      %dma_start3A_674 = arith.constant 0 : i32
      %dma_start3A_675 = tpu.memref_slice %arg14[%dma_start3A_673, %dma_start3A_674] : memref<128x128xf32, #tpu.memory_space<vmem>> -> memref<32x128xf32, #tpu.memory_space<vmem>>
      %dma_start3A_676 = tpu.memref_slice %arg5[%add3A_669, %add3A_671] : memref<16384x1024xf32, #tpu.memory_space<hbm>> -> memref<32x128xf32, #tpu.memory_space<hbm>>
      %dma_start3A_677 = tpu.memref_slice %arg19[%dma_start3A_672] : memref<4x!tpu.dma_semaphore, #tpu.memory_space<semaphore_mem>> -> memref<1x!tpu.dma_semaphore, #tpu.memory_space<semaphore_mem>>
      %dma_start3A_678 = tpu.memref_squeeze %dma_start3A_677 : memref<1x!tpu.dma_semaphore, #tpu.memory_space<semaphore_mem>> -> memref<!tpu.dma_semaphore, #tpu.memory_space<semaphore_mem>>
      %dma_start3A_679 = tpu.memref_slice %arg5[%add3A_669, %add3A_671] : memref<16384x1024xf32, #tpu.memory_space<hbm>> -> memref<32x128xf32, #tpu.memory_space<hbm>>
      %dma_start3A_680 = arith.constant 0 : i32
      %dma_start3A_681 = arith.constant 0 : i32
      %dma_start3A_682 = tpu.memref_slice %arg14[%dma_start3A_680, %dma_start3A_681] : memref<128x128xf32, #tpu.memory_space<vmem>> -> memref<32x128xf32, #tpu.memory_space<vmem>>
      tpu.enqueue_dma source(%dma_start3A_682 : memref<32x128xf32, #tpu.memory_space<vmem>>) target(%dma_start3A_679 : memref<32x128xf32, #tpu.memory_space<hbm>>) target_semaphore(%dma_start3A_678 : memref<!tpu.dma_semaphore, #tpu.memory_space<semaphore_mem>>)
      %add3A_683 = arith.constant 12288 : i32
      %add3A_684 = arith.addi %add3A_683, %mul3A_2 : i32
      %mul3A_685 = arith.constant 32 : i32
      %mul3A_686 = arith.muli %scan3A_329, %mul3A_685 : i32
      %add3A_687 = arith.addi %add3A_684, %mul3A_686 : i32
      %add3A_688 = arith.constant 128 : i32
      %add3A_689 = arith.addi %mul3A_0, %add3A_688 : i32
      %dma_start3A_690 = arith.constant 3 : i32
      %dma_start3A_691 = arith.constant 32 : i32
      %dma_start3A_692 = arith.constant 0 : i32
      %dma_start3A_693 = tpu.memref_slice %arg14[%dma_start3A_691, %dma_start3A_692] : memref<128x128xf32, #tpu.memory_space<vmem>> -> memref<32x128xf32, #tpu.memory_space<vmem>>
      %dma_start3A_694 = tpu.memref_slice %arg5[%add3A_687, %add3A_689] : memref<16384x1024xf32, #tpu.memory_space<hbm>> -> memref<32x128xf32, #tpu.memory_space<hbm>>
      %dma_start3A_695 = tpu.memref_slice %arg19[%dma_start3A_690] : memref<4x!tpu.dma_semaphore, #tpu.memory_space<semaphore_mem>> -> memref<1x!tpu.dma_semaphore, #tpu.memory_space<semaphore_mem>>
      %dma_start3A_696 = tpu.memref_squeeze %dma_start3A_695 : memref<1x!tpu.dma_semaphore, #tpu.memory_space<semaphore_mem>> -> memref<!tpu.dma_semaphore, #tpu.memory_space<semaphore_mem>>
      %dma_start3A_697 = tpu.memref_slice %arg5[%add3A_687, %add3A_689] : memref<16384x1024xf32, #tpu.memory_space<hbm>> -> memref<32x128xf32, #tpu.memory_space<hbm>>
      %dma_start3A_698 = arith.constant 32 : i32
      %dma_start3A_699 = arith.constant 0 : i32
      %dma_start3A_700 = tpu.memref_slice %arg14[%dma_start3A_698, %dma_start3A_699] : memref<128x128xf32, #tpu.memory_space<vmem>> -> memref<32x128xf32, #tpu.memory_space<vmem>>
      tpu.enqueue_dma source(%dma_start3A_700 : memref<32x128xf32, #tpu.memory_space<vmem>>) target(%dma_start3A_697 : memref<32x128xf32, #tpu.memory_space<hbm>>) target_semaphore(%dma_start3A_696 : memref<!tpu.dma_semaphore, #tpu.memory_space<semaphore_mem>>)
      %add3A_701 = arith.constant 12288 : i32
      %add3A_702 = arith.addi %add3A_701, %mul3A_2 : i32
      %mul3A_703 = arith.constant 32 : i32
      %mul3A_704 = arith.muli %scan3A_329, %mul3A_703 : i32
      %add3A_705 = arith.addi %add3A_702, %mul3A_704 : i32
      %add3A_706 = arith.constant 256 : i32
      %add3A_707 = arith.addi %mul3A_0, %add3A_706 : i32
      %dma_start3A_708 = arith.constant 3 : i32
      %dma_start3A_709 = arith.constant 64 : i32
      %dma_start3A_710 = arith.constant 0 : i32
      %dma_start3A_711 = tpu.memref_slice %arg14[%dma_start3A_709, %dma_start3A_710] : memref<128x128xf32, #tpu.memory_space<vmem>> -> memref<32x128xf32, #tpu.memory_space<vmem>>
      %dma_start3A_712 = tpu.memref_slice %arg5[%add3A_705, %add3A_707] : memref<16384x1024xf32, #tpu.memory_space<hbm>> -> memref<32x128xf32, #tpu.memory_space<hbm>>
      %dma_start3A_713 = tpu.memref_slice %arg19[%dma_start3A_708] : memref<4x!tpu.dma_semaphore, #tpu.memory_space<semaphore_mem>> -> memref<1x!tpu.dma_semaphore, #tpu.memory_space<semaphore_mem>>
      %dma_start3A_714 = tpu.memref_squeeze %dma_start3A_713 : memref<1x!tpu.dma_semaphore, #tpu.memory_space<semaphore_mem>> -> memref<!tpu.dma_semaphore, #tpu.memory_space<semaphore_mem>>
      %dma_start3A_715 = tpu.memref_slice %arg5[%add3A_705, %add3A_707] : memref<16384x1024xf32, #tpu.memory_space<hbm>> -> memref<32x128xf32, #tpu.memory_space<hbm>>
      %dma_start3A_716 = arith.constant 64 : i32
      %dma_start3A_717 = arith.constant 0 : i32
      %dma_start3A_718 = tpu.memref_slice %arg14[%dma_start3A_716, %dma_start3A_717] : memref<128x128xf32, #tpu.memory_space<vmem>> -> memref<32x128xf32, #tpu.memory_space<vmem>>
      tpu.enqueue_dma source(%dma_start3A_718 : memref<32x128xf32, #tpu.memory_space<vmem>>) target(%dma_start3A_715 : memref<32x128xf32, #tpu.memory_space<hbm>>) target_semaphore(%dma_start3A_714 : memref<!tpu.dma_semaphore, #tpu.memory_space<semaphore_mem>>)
      %add3A_719 = arith.constant 12288 : i32
      %add3A_720 = arith.addi %add3A_719, %mul3A_2 : i32
      %mul3A_721 = arith.constant 32 : i32
      %mul3A_722 = arith.muli %scan3A_329, %mul3A_721 : i32
      %add3A_723 = arith.addi %add3A_720, %mul3A_722 : i32
      %add3A_724 = arith.constant 384 : i32
      %add3A_725 = arith.addi %mul3A_0, %add3A_724 : i32
      %dma_start3A_726 = arith.constant 3 : i32
      %dma_start3A_727 = arith.constant 96 : i32
      %dma_start3A_728 = arith.constant 0 : i32
      %dma_start3A_729 = tpu.memref_slice %arg14[%dma_start3A_727, %dma_start3A_728] : memref<128x128xf32, #tpu.memory_space<vmem>> -> memref<32x128xf32, #tpu.memory_space<vmem>>
      %dma_start3A_730 = tpu.memref_slice %arg5[%add3A_723, %add3A_725] : memref<16384x1024xf32, #tpu.memory_space<hbm>> -> memref<32x128xf32, #tpu.memory_space<hbm>>
      %dma_start3A_731 = tpu.memref_slice %arg19[%dma_start3A_726] : memref<4x!tpu.dma_semaphore, #tpu.memory_space<semaphore_mem>> -> memref<1x!tpu.dma_semaphore, #tpu.memory_space<semaphore_mem>>
      %dma_start3A_732 = tpu.memref_squeeze %dma_start3A_731 : memref<1x!tpu.dma_semaphore, #tpu.memory_space<semaphore_mem>> -> memref<!tpu.dma_semaphore, #tpu.memory_space<semaphore_mem>>
      %dma_start3A_733 = tpu.memref_slice %arg5[%add3A_723, %add3A_725] : memref<16384x1024xf32, #tpu.memory_space<hbm>> -> memref<32x128xf32, #tpu.memory_space<hbm>>
      %dma_start3A_734 = arith.constant 96 : i32
      %dma_start3A_735 = arith.constant 0 : i32
      %dma_start3A_736 = tpu.memref_slice %arg14[%dma_start3A_734, %dma_start3A_735] : memref<128x128xf32, #tpu.memory_space<vmem>> -> memref<32x128xf32, #tpu.memory_space<vmem>>
      tpu.enqueue_dma source(%dma_start3A_736 : memref<32x128xf32, #tpu.memory_space<vmem>>) target(%dma_start3A_733 : memref<32x128xf32, #tpu.memory_space<hbm>>) target_semaphore(%dma_start3A_732 : memref<!tpu.dma_semaphore, #tpu.memory_space<semaphore_mem>>)
      %add3A_737 = arith.constant 2 : i32
      %add3A_738 = arith.addi %scan3A_329, %add3A_737 : i32
      %lt3A_739 = arith.constant 8 : i32
      %lt3A_740 = arith.cmpi slt, %add3A_738, %lt3A_739 : i32
      %convert_element_type3A_741 = arith.extui %lt3A_740 : i1 to i32
      %cond3A_742 = arith.constant 0 : i32
      %cond3A_743 = arith.cmpi ne, %convert_element_type3A_741, %cond3A_742 : i32
      scf.if %cond3A_743 {
        %add3A_745 = arith.constant 2 : i32
        %add3A_746 = arith.addi %scan3A_329, %add3A_745 : i32
        %mul3A_747 = arith.constant 32 : i32
        %mul3A_748 = arith.muli %add3A_746, %mul3A_747 : i32
        %add3A_749 = arith.addi %mul3A_2, %mul3A_748 : i32
        %dma_start3A_750 = arith.constant 0 : i32
        %dma_start3A_751 = arith.constant 0 : i32
        %dma_start3A_752 = tpu.memref_slice %arg10[%rem3A_331, %dma_start3A_750, %dma_start3A_751] : memref<2x32x512xf32, #tpu.memory_space<vmem>> -> memref<1x32x512xf32, #tpu.memory_space<vmem>>
        %dma_start3A_753 = tpu.memref_squeeze %dma_start3A_752 : memref<1x32x512xf32, #tpu.memory_space<vmem>> -> memref<32x512xf32, #tpu.memory_space<vmem>>
        %dma_start3A_754 = tpu.memref_slice %arg4[%add3A_749, %mul3A_0] : memref<4096x1024xf32, #tpu.memory_space<hbm>> -> memref<32x512xf32, #tpu.memory_space<hbm>>
        %dma_start3A_755 = tpu.memref_slice %arg16[%rem3A_331] : memref<2x!tpu.dma_semaphore, #tpu.memory_space<semaphore_mem>> -> memref<1x!tpu.dma_semaphore, #tpu.memory_space<semaphore_mem>>
        %dma_start3A_756 = tpu.memref_squeeze %dma_start3A_755 : memref<1x!tpu.dma_semaphore, #tpu.memory_space<semaphore_mem>> -> memref<!tpu.dma_semaphore, #tpu.memory_space<semaphore_mem>>
        %dma_start3A_757 = arith.constant 0 : i32
        %dma_start3A_758 = arith.constant 0 : i32
        %dma_start3A_759 = tpu.memref_slice %arg10[%rem3A_331, %dma_start3A_757, %dma_start3A_758] : memref<2x32x512xf32, #tpu.memory_space<vmem>> -> memref<1x32x512xf32, #tpu.memory_space<vmem>>
        %dma_start3A_760 = tpu.memref_squeeze %dma_start3A_759 : memref<1x32x512xf32, #tpu.memory_space<vmem>> -> memref<32x512xf32, #tpu.memory_space<vmem>>
        %dma_start3A_761 = tpu.memref_slice %arg4[%add3A_749, %mul3A_0] : memref<4096x1024xf32, #tpu.memory_space<hbm>> -> memref<32x512xf32, #tpu.memory_space<hbm>>
        tpu.enqueue_dma source(%dma_start3A_761 : memref<32x512xf32, #tpu.memory_space<hbm>>) target(%dma_start3A_760 : memref<32x512xf32, #tpu.memory_space<vmem>>) target_semaphore(%dma_start3A_756 : memref<!tpu.dma_semaphore, #tpu.memory_space<semaphore_mem>>)
      } else {
      }
      %scan3A_744 = arith.constant 0 : i32
      scf.yield %scan3A_744 : i32
    }
    %scan3A_89 = arith.constant 8 : i32
    %dma_wait3A = arith.constant 0 : i32
    %dma_wait3A_90 = arith.constant 0 : i32
    %dma_wait3A_91 = arith.constant 0 : i32
    %dma_wait3A_92 = tpu.memref_slice %arg11[%dma_wait3A_90, %dma_wait3A_91] : memref<128x128xf32, #tpu.memory_space<vmem>> -> memref<32x128xf32, #tpu.memory_space<vmem>>
    %dma_wait3A_93 = arith.constant 0 : i32
    %dma_wait3A_94 = arith.constant 0 : i32
    %dma_wait3A_95 = tpu.memref_slice %arg5[%dma_wait3A_93, %dma_wait3A_94] : memref<16384x1024xf32, #tpu.memory_space<hbm>> -> memref<32x128xf32, #tpu.memory_space<hbm>>
    %dma_wait3A_96 = tpu.memref_slice %arg19[%dma_wait3A] : memref<4x!tpu.dma_semaphore, #tpu.memory_space<semaphore_mem>> -> memref<1x!tpu.dma_semaphore, #tpu.memory_space<semaphore_mem>>
    %dma_wait3A_97 = tpu.memref_squeeze %dma_wait3A_96 : memref<1x!tpu.dma_semaphore, #tpu.memory_space<semaphore_mem>> -> memref<!tpu.dma_semaphore, #tpu.memory_space<semaphore_mem>>
    %dma_wait3A_98 = arith.constant 0 : i32
    %dma_wait3A_99 = arith.constant 0 : i32
    %dma_wait3A_100 = tpu.memref_slice %arg5[%dma_wait3A_98, %dma_wait3A_99] : memref<16384x1024xf32, #tpu.memory_space<hbm>> -> memref<32x128xf32, #tpu.memory_space<hbm>>
    %dma_wait3A_101 = arith.constant 0 : i32
    %dma_wait3A_102 = arith.constant 0 : i32
    %dma_wait3A_103 = tpu.memref_slice %arg11[%dma_wait3A_101, %dma_wait3A_102] : memref<128x128xf32, #tpu.memory_space<vmem>> -> memref<32x128xf32, #tpu.memory_space<vmem>>
    tpu.wait_dma2 semaphore(%dma_wait3A_97 : memref<!tpu.dma_semaphore, #tpu.memory_space<semaphore_mem>>) src(%dma_wait3A_103 : memref<32x128xf32, #tpu.memory_space<vmem>>) dst(%dma_wait3A_100 : memref<32x128xf32, #tpu.memory_space<hbm>>)
    %dma_wait3A_104 = arith.constant 0 : i32
    %dma_wait3A_105 = arith.constant 32 : i32
    %dma_wait3A_106 = arith.constant 0 : i32
    %dma_wait3A_107 = tpu.memref_slice %arg11[%dma_wait3A_105, %dma_wait3A_106] : memref<128x128xf32, #tpu.memory_space<vmem>> -> memref<32x128xf32, #tpu.memory_space<vmem>>
    %dma_wait3A_108 = arith.constant 0 : i32
    %dma_wait3A_109 = arith.constant 0 : i32
    %dma_wait3A_110 = tpu.memref_slice %arg5[%dma_wait3A_108, %dma_wait3A_109] : memref<16384x1024xf32, #tpu.memory_space<hbm>> -> memref<32x128xf32, #tpu.memory_space<hbm>>
    %dma_wait3A_111 = tpu.memref_slice %arg19[%dma_wait3A_104] : memref<4x!tpu.dma_semaphore, #tpu.memory_space<semaphore_mem>> -> memref<1x!tpu.dma_semaphore, #tpu.memory_space<semaphore_mem>>
    %dma_wait3A_112 = tpu.memref_squeeze %dma_wait3A_111 : memref<1x!tpu.dma_semaphore, #tpu.memory_space<semaphore_mem>> -> memref<!tpu.dma_semaphore, #tpu.memory_space<semaphore_mem>>
    %dma_wait3A_113 = arith.constant 0 : i32
    %dma_wait3A_114 = arith.constant 0 : i32
    %dma_wait3A_115 = tpu.memref_slice %arg5[%dma_wait3A_113, %dma_wait3A_114] : memref<16384x1024xf32, #tpu.memory_space<hbm>> -> memref<32x128xf32, #tpu.memory_space<hbm>>
    %dma_wait3A_116 = arith.constant 32 : i32
    %dma_wait3A_117 = arith.constant 0 : i32
    %dma_wait3A_118 = tpu.memref_slice %arg11[%dma_wait3A_116, %dma_wait3A_117] : memref<128x128xf32, #tpu.memory_space<vmem>> -> memref<32x128xf32, #tpu.memory_space<vmem>>
    tpu.wait_dma2 semaphore(%dma_wait3A_112 : memref<!tpu.dma_semaphore, #tpu.memory_space<semaphore_mem>>) src(%dma_wait3A_118 : memref<32x128xf32, #tpu.memory_space<vmem>>) dst(%dma_wait3A_115 : memref<32x128xf32, #tpu.memory_space<hbm>>)
    %dma_wait3A_119 = arith.constant 0 : i32
    %dma_wait3A_120 = arith.constant 64 : i32
    %dma_wait3A_121 = arith.constant 0 : i32
    %dma_wait3A_122 = tpu.memref_slice %arg11[%dma_wait3A_120, %dma_wait3A_121] : memref<128x128xf32, #tpu.memory_space<vmem>> -> memref<32x128xf32, #tpu.memory_space<vmem>>
    %dma_wait3A_123 = arith.constant 0 : i32
    %dma_wait3A_124 = arith.constant 0 : i32
    %dma_wait3A_125 = tpu.memref_slice %arg5[%dma_wait3A_123, %dma_wait3A_124] : memref<16384x1024xf32, #tpu.memory_space<hbm>> -> memref<32x128xf32, #tpu.memory_space<hbm>>
    %dma_wait3A_126 = tpu.memref_slice %arg19[%dma_wait3A_119] : memref<4x!tpu.dma_semaphore, #tpu.memory_space<semaphore_mem>> -> memref<1x!tpu.dma_semaphore, #tpu.memory_space<semaphore_mem>>
    %dma_wait3A_127 = tpu.memref_squeeze %dma_wait3A_126 : memref<1x!tpu.dma_semaphore, #tpu.memory_space<semaphore_mem>> -> memref<!tpu.dma_semaphore, #tpu.memory_space<semaphore_mem>>
    %dma_wait3A_128 = arith.constant 0 : i32
    %dma_wait3A_129 = arith.constant 0 : i32
    %dma_wait3A_130 = tpu.memref_slice %arg5[%dma_wait3A_128, %dma_wait3A_129] : memref<16384x1024xf32, #tpu.memory_space<hbm>> -> memref<32x128xf32, #tpu.memory_space<hbm>>
    %dma_wait3A_131 = arith.constant 64 : i32
    %dma_wait3A_132 = arith.constant 0 : i32
    %dma_wait3A_133 = tpu.memref_slice %arg11[%dma_wait3A_131, %dma_wait3A_132] : memref<128x128xf32, #tpu.memory_space<vmem>> -> memref<32x128xf32, #tpu.memory_space<vmem>>
    tpu.wait_dma2 semaphore(%dma_wait3A_127 : memref<!tpu.dma_semaphore, #tpu.memory_space<semaphore_mem>>) src(%dma_wait3A_133 : memref<32x128xf32, #tpu.memory_space<vmem>>) dst(%dma_wait3A_130 : memref<32x128xf32, #tpu.memory_space<hbm>>)
    %dma_wait3A_134 = arith.constant 0 : i32
    %dma_wait3A_135 = arith.constant 96 : i32
    %dma_wait3A_136 = arith.constant 0 : i32
    %dma_wait3A_137 = tpu.memref_slice %arg11[%dma_wait3A_135, %dma_wait3A_136] : memref<128x128xf32, #tpu.memory_space<vmem>> -> memref<32x128xf32, #tpu.memory_space<vmem>>
    %dma_wait3A_138 = arith.constant 0 : i32
    %dma_wait3A_139 = arith.constant 0 : i32
    %dma_wait3A_140 = tpu.memref_slice %arg5[%dma_wait3A_138, %dma_wait3A_139] : memref<16384x1024xf32, #tpu.memory_space<hbm>> -> memref<32x128xf32, #tpu.memory_space<hbm>>
    %dma_wait3A_141 = tpu.memref_slice %arg19[%dma_wait3A_134] : memref<4x!tpu.dma_semaphore, #tpu.memory_space<semaphore_mem>> -> memref<1x!tpu.dma_semaphore, #tpu.memory_space<semaphore_mem>>
    %dma_wait3A_142 = tpu.memref_squeeze %dma_wait3A_141 : memref<1x!tpu.dma_semaphore, #tpu.memory_space<semaphore_mem>> -> memref<!tpu.dma_semaphore, #tpu.memory_space<semaphore_mem>>
    %dma_wait3A_143 = arith.constant 0 : i32
    %dma_wait3A_144 = arith.constant 0 : i32
    %dma_wait3A_145 = tpu.memref_slice %arg5[%dma_wait3A_143, %dma_wait3A_144] : memref<16384x1024xf32, #tpu.memory_space<hbm>> -> memref<32x128xf32, #tpu.memory_space<hbm>>
    %dma_wait3A_146 = arith.constant 96 : i32
    %dma_wait3A_147 = arith.constant 0 : i32
    %dma_wait3A_148 = tpu.memref_slice %arg11[%dma_wait3A_146, %dma_wait3A_147] : memref<128x128xf32, #tpu.memory_space<vmem>> -> memref<32x128xf32, #tpu.memory_space<vmem>>
    tpu.wait_dma2 semaphore(%dma_wait3A_142 : memref<!tpu.dma_semaphore, #tpu.memory_space<semaphore_mem>>) src(%dma_wait3A_148 : memref<32x128xf32, #tpu.memory_space<vmem>>) dst(%dma_wait3A_145 : memref<32x128xf32, #tpu.memory_space<hbm>>)
    %dma_wait3A_149 = arith.constant 1 : i32
    %dma_wait3A_150 = arith.constant 0 : i32
    %dma_wait3A_151 = arith.constant 0 : i32
    %dma_wait3A_152 = tpu.memref_slice %arg12[%dma_wait3A_150, %dma_wait3A_151] : memref<128x128xf32, #tpu.memory_space<vmem>> -> memref<32x128xf32, #tpu.memory_space<vmem>>
    %dma_wait3A_153 = arith.constant 0 : i32
    %dma_wait3A_154 = arith.constant 0 : i32
    %dma_wait3A_155 = tpu.memref_slice %arg5[%dma_wait3A_153, %dma_wait3A_154] : memref<16384x1024xf32, #tpu.memory_space<hbm>> -> memref<32x128xf32, #tpu.memory_space<hbm>>
    %dma_wait3A_156 = tpu.memref_slice %arg19[%dma_wait3A_149] : memref<4x!tpu.dma_semaphore, #tpu.memory_space<semaphore_mem>> -> memref<1x!tpu.dma_semaphore, #tpu.memory_space<semaphore_mem>>
    %dma_wait3A_157 = tpu.memref_squeeze %dma_wait3A_156 : memref<1x!tpu.dma_semaphore, #tpu.memory_space<semaphore_mem>> -> memref<!tpu.dma_semaphore, #tpu.memory_space<semaphore_mem>>
    %dma_wait3A_158 = arith.constant 0 : i32
    %dma_wait3A_159 = arith.constant 0 : i32
    %dma_wait3A_160 = tpu.memref_slice %arg5[%dma_wait3A_158, %dma_wait3A_159] : memref<16384x1024xf32, #tpu.memory_space<hbm>> -> memref<32x128xf32, #tpu.memory_space<hbm>>
    %dma_wait3A_161 = arith.constant 0 : i32
    %dma_wait3A_162 = arith.constant 0 : i32
    %dma_wait3A_163 = tpu.memref_slice %arg12[%dma_wait3A_161, %dma_wait3A_162] : memref<128x128xf32, #tpu.memory_space<vmem>> -> memref<32x128xf32, #tpu.memory_space<vmem>>
    tpu.wait_dma2 semaphore(%dma_wait3A_157 : memref<!tpu.dma_semaphore, #tpu.memory_space<semaphore_mem>>) src(%dma_wait3A_163 : memref<32x128xf32, #tpu.memory_space<vmem>>) dst(%dma_wait3A_160 : memref<32x128xf32, #tpu.memory_space<hbm>>)
    %dma_wait3A_164 = arith.constant 1 : i32
    %dma_wait3A_165 = arith.constant 32 : i32
    %dma_wait3A_166 = arith.constant 0 : i32
    %dma_wait3A_167 = tpu.memref_slice %arg12[%dma_wait3A_165, %dma_wait3A_166] : memref<128x128xf32, #tpu.memory_space<vmem>> -> memref<32x128xf32, #tpu.memory_space<vmem>>
    %dma_wait3A_168 = arith.constant 0 : i32
    %dma_wait3A_169 = arith.constant 0 : i32
    %dma_wait3A_170 = tpu.memref_slice %arg5[%dma_wait3A_168, %dma_wait3A_169] : memref<16384x1024xf32, #tpu.memory_space<hbm>> -> memref<32x128xf32, #tpu.memory_space<hbm>>
    %dma_wait3A_171 = tpu.memref_slice %arg19[%dma_wait3A_164] : memref<4x!tpu.dma_semaphore, #tpu.memory_space<semaphore_mem>> -> memref<1x!tpu.dma_semaphore, #tpu.memory_space<semaphore_mem>>
    %dma_wait3A_172 = tpu.memref_squeeze %dma_wait3A_171 : memref<1x!tpu.dma_semaphore, #tpu.memory_space<semaphore_mem>> -> memref<!tpu.dma_semaphore, #tpu.memory_space<semaphore_mem>>
    %dma_wait3A_173 = arith.constant 0 : i32
    %dma_wait3A_174 = arith.constant 0 : i32
    %dma_wait3A_175 = tpu.memref_slice %arg5[%dma_wait3A_173, %dma_wait3A_174] : memref<16384x1024xf32, #tpu.memory_space<hbm>> -> memref<32x128xf32, #tpu.memory_space<hbm>>
    %dma_wait3A_176 = arith.constant 32 : i32
    %dma_wait3A_177 = arith.constant 0 : i32
    %dma_wait3A_178 = tpu.memref_slice %arg12[%dma_wait3A_176, %dma_wait3A_177] : memref<128x128xf32, #tpu.memory_space<vmem>> -> memref<32x128xf32, #tpu.memory_space<vmem>>
    tpu.wait_dma2 semaphore(%dma_wait3A_172 : memref<!tpu.dma_semaphore, #tpu.memory_space<semaphore_mem>>) src(%dma_wait3A_178 : memref<32x128xf32, #tpu.memory_space<vmem>>) dst(%dma_wait3A_175 : memref<32x128xf32, #tpu.memory_space<hbm>>)
    %dma_wait3A_179 = arith.constant 1 : i32
    %dma_wait3A_180 = arith.constant 64 : i32
    %dma_wait3A_181 = arith.constant 0 : i32
    %dma_wait3A_182 = tpu.memref_slice %arg12[%dma_wait3A_180, %dma_wait3A_181] : memref<128x128xf32, #tpu.memory_space<vmem>> -> memref<32x128xf32, #tpu.memory_space<vmem>>
    %dma_wait3A_183 = arith.constant 0 : i32
    %dma_wait3A_184 = arith.constant 0 : i32
    %dma_wait3A_185 = tpu.memref_slice %arg5[%dma_wait3A_183, %dma_wait3A_184] : memref<16384x1024xf32, #tpu.memory_space<hbm>> -> memref<32x128xf32, #tpu.memory_space<hbm>>
    %dma_wait3A_186 = tpu.memref_slice %arg19[%dma_wait3A_179] : memref<4x!tpu.dma_semaphore, #tpu.memory_space<semaphore_mem>> -> memref<1x!tpu.dma_semaphore, #tpu.memory_space<semaphore_mem>>
    %dma_wait3A_187 = tpu.memref_squeeze %dma_wait3A_186 : memref<1x!tpu.dma_semaphore, #tpu.memory_space<semaphore_mem>> -> memref<!tpu.dma_semaphore, #tpu.memory_space<semaphore_mem>>
    %dma_wait3A_188 = arith.constant 0 : i32
    %dma_wait3A_189 = arith.constant 0 : i32
    %dma_wait3A_190 = tpu.memref_slice %arg5[%dma_wait3A_188, %dma_wait3A_189] : memref<16384x1024xf32, #tpu.memory_space<hbm>> -> memref<32x128xf32, #tpu.memory_space<hbm>>
    %dma_wait3A_191 = arith.constant 64 : i32
    %dma_wait3A_192 = arith.constant 0 : i32
    %dma_wait3A_193 = tpu.memref_slice %arg12[%dma_wait3A_191, %dma_wait3A_192] : memref<128x128xf32, #tpu.memory_space<vmem>> -> memref<32x128xf32, #tpu.memory_space<vmem>>
    tpu.wait_dma2 semaphore(%dma_wait3A_187 : memref<!tpu.dma_semaphore, #tpu.memory_space<semaphore_mem>>) src(%dma_wait3A_193 : memref<32x128xf32, #tpu.memory_space<vmem>>) dst(%dma_wait3A_190 : memref<32x128xf32, #tpu.memory_space<hbm>>)
    %dma_wait3A_194 = arith.constant 1 : i32
    %dma_wait3A_195 = arith.constant 96 : i32
    %dma_wait3A_196 = arith.constant 0 : i32
    %dma_wait3A_197 = tpu.memref_slice %arg12[%dma_wait3A_195, %dma_wait3A_196] : memref<128x128xf32, #tpu.memory_space<vmem>> -> memref<32x128xf32, #tpu.memory_space<vmem>>
    %dma_wait3A_198 = arith.constant 0 : i32
    %dma_wait3A_199 = arith.constant 0 : i32
    %dma_wait3A_200 = tpu.memref_slice %arg5[%dma_wait3A_198, %dma_wait3A_199] : memref<16384x1024xf32, #tpu.memory_space<hbm>> -> memref<32x128xf32, #tpu.memory_space<hbm>>
    %dma_wait3A_201 = tpu.memref_slice %arg19[%dma_wait3A_194] : memref<4x!tpu.dma_semaphore, #tpu.memory_space<semaphore_mem>> -> memref<1x!tpu.dma_semaphore, #tpu.memory_space<semaphore_mem>>
    %dma_wait3A_202 = tpu.memref_squeeze %dma_wait3A_201 : memref<1x!tpu.dma_semaphore, #tpu.memory_space<semaphore_mem>> -> memref<!tpu.dma_semaphore, #tpu.memory_space<semaphore_mem>>
    %dma_wait3A_203 = arith.constant 0 : i32
    %dma_wait3A_204 = arith.constant 0 : i32
    %dma_wait3A_205 = tpu.memref_slice %arg5[%dma_wait3A_203, %dma_wait3A_204] : memref<16384x1024xf32, #tpu.memory_space<hbm>> -> memref<32x128xf32, #tpu.memory_space<hbm>>
    %dma_wait3A_206 = arith.constant 96 : i32
    %dma_wait3A_207 = arith.constant 0 : i32
    %dma_wait3A_208 = tpu.memref_slice %arg12[%dma_wait3A_206, %dma_wait3A_207] : memref<128x128xf32, #tpu.memory_space<vmem>> -> memref<32x128xf32, #tpu.memory_space<vmem>>
    tpu.wait_dma2 semaphore(%dma_wait3A_202 : memref<!tpu.dma_semaphore, #tpu.memory_space<semaphore_mem>>) src(%dma_wait3A_208 : memref<32x128xf32, #tpu.memory_space<vmem>>) dst(%dma_wait3A_205 : memref<32x128xf32, #tpu.memory_space<hbm>>)
    %dma_wait3A_209 = arith.constant 2 : i32
    %dma_wait3A_210 = arith.constant 0 : i32
    %dma_wait3A_211 = arith.constant 0 : i32
    %dma_wait3A_212 = tpu.memref_slice %arg13[%dma_wait3A_210, %dma_wait3A_211] : memref<128x128xf32, #tpu.memory_space<vmem>> -> memref<32x128xf32, #tpu.memory_space<vmem>>
    %dma_wait3A_213 = arith.constant 0 : i32
    %dma_wait3A_214 = arith.constant 0 : i32
    %dma_wait3A_215 = tpu.memref_slice %arg5[%dma_wait3A_213, %dma_wait3A_214] : memref<16384x1024xf32, #tpu.memory_space<hbm>> -> memref<32x128xf32, #tpu.memory_space<hbm>>
    %dma_wait3A_216 = tpu.memref_slice %arg19[%dma_wait3A_209] : memref<4x!tpu.dma_semaphore, #tpu.memory_space<semaphore_mem>> -> memref<1x!tpu.dma_semaphore, #tpu.memory_space<semaphore_mem>>
    %dma_wait3A_217 = tpu.memref_squeeze %dma_wait3A_216 : memref<1x!tpu.dma_semaphore, #tpu.memory_space<semaphore_mem>> -> memref<!tpu.dma_semaphore, #tpu.memory_space<semaphore_mem>>
    %dma_wait3A_218 = arith.constant 0 : i32
    %dma_wait3A_219 = arith.constant 0 : i32
    %dma_wait3A_220 = tpu.memref_slice %arg5[%dma_wait3A_218, %dma_wait3A_219] : memref<16384x1024xf32, #tpu.memory_space<hbm>> -> memref<32x128xf32, #tpu.memory_space<hbm>>
    %dma_wait3A_221 = arith.constant 0 : i32
    %dma_wait3A_222 = arith.constant 0 : i32
    %dma_wait3A_223 = tpu.memref_slice %arg13[%dma_wait3A_221, %dma_wait3A_222] : memref<128x128xf32, #tpu.memory_space<vmem>> -> memref<32x128xf32, #tpu.memory_space<vmem>>
    tpu.wait_dma2 semaphore(%dma_wait3A_217 : memref<!tpu.dma_semaphore, #tpu.memory_space<semaphore_mem>>) src(%dma_wait3A_223 : memref<32x128xf32, #tpu.memory_space<vmem>>) dst(%dma_wait3A_220 : memref<32x128xf32, #tpu.memory_space<hbm>>)
    %dma_wait3A_224 = arith.constant 2 : i32
    %dma_wait3A_225 = arith.constant 32 : i32
    %dma_wait3A_226 = arith.constant 0 : i32
    %dma_wait3A_227 = tpu.memref_slice %arg13[%dma_wait3A_225, %dma_wait3A_226] : memref<128x128xf32, #tpu.memory_space<vmem>> -> memref<32x128xf32, #tpu.memory_space<vmem>>
    %dma_wait3A_228 = arith.constant 0 : i32
    %dma_wait3A_229 = arith.constant 0 : i32
    %dma_wait3A_230 = tpu.memref_slice %arg5[%dma_wait3A_228, %dma_wait3A_229] : memref<16384x1024xf32, #tpu.memory_space<hbm>> -> memref<32x128xf32, #tpu.memory_space<hbm>>
    %dma_wait3A_231 = tpu.memref_slice %arg19[%dma_wait3A_224] : memref<4x!tpu.dma_semaphore, #tpu.memory_space<semaphore_mem>> -> memref<1x!tpu.dma_semaphore, #tpu.memory_space<semaphore_mem>>
    %dma_wait3A_232 = tpu.memref_squeeze %dma_wait3A_231 : memref<1x!tpu.dma_semaphore, #tpu.memory_space<semaphore_mem>> -> memref<!tpu.dma_semaphore, #tpu.memory_space<semaphore_mem>>
    %dma_wait3A_233 = arith.constant 0 : i32
    %dma_wait3A_234 = arith.constant 0 : i32
    %dma_wait3A_235 = tpu.memref_slice %arg5[%dma_wait3A_233, %dma_wait3A_234] : memref<16384x1024xf32, #tpu.memory_space<hbm>> -> memref<32x128xf32, #tpu.memory_space<hbm>>
    %dma_wait3A_236 = arith.constant 32 : i32
    %dma_wait3A_237 = arith.constant 0 : i32
    %dma_wait3A_238 = tpu.memref_slice %arg13[%dma_wait3A_236, %dma_wait3A_237] : memref<128x128xf32, #tpu.memory_space<vmem>> -> memref<32x128xf32, #tpu.memory_space<vmem>>
    tpu.wait_dma2 semaphore(%dma_wait3A_232 : memref<!tpu.dma_semaphore, #tpu.memory_space<semaphore_mem>>) src(%dma_wait3A_238 : memref<32x128xf32, #tpu.memory_space<vmem>>) dst(%dma_wait3A_235 : memref<32x128xf32, #tpu.memory_space<hbm>>)
    %dma_wait3A_239 = arith.constant 2 : i32
    %dma_wait3A_240 = arith.constant 64 : i32
    %dma_wait3A_241 = arith.constant 0 : i32
    %dma_wait3A_242 = tpu.memref_slice %arg13[%dma_wait3A_240, %dma_wait3A_241] : memref<128x128xf32, #tpu.memory_space<vmem>> -> memref<32x128xf32, #tpu.memory_space<vmem>>
    %dma_wait3A_243 = arith.constant 0 : i32
    %dma_wait3A_244 = arith.constant 0 : i32
    %dma_wait3A_245 = tpu.memref_slice %arg5[%dma_wait3A_243, %dma_wait3A_244] : memref<16384x1024xf32, #tpu.memory_space<hbm>> -> memref<32x128xf32, #tpu.memory_space<hbm>>
    %dma_wait3A_246 = tpu.memref_slice %arg19[%dma_wait3A_239] : memref<4x!tpu.dma_semaphore, #tpu.memory_space<semaphore_mem>> -> memref<1x!tpu.dma_semaphore, #tpu.memory_space<semaphore_mem>>
    %dma_wait3A_247 = tpu.memref_squeeze %dma_wait3A_246 : memref<1x!tpu.dma_semaphore, #tpu.memory_space<semaphore_mem>> -> memref<!tpu.dma_semaphore, #tpu.memory_space<semaphore_mem>>
    %dma_wait3A_248 = arith.constant 0 : i32
    %dma_wait3A_249 = arith.constant 0 : i32
    %dma_wait3A_250 = tpu.memref_slice %arg5[%dma_wait3A_248, %dma_wait3A_249] : memref<16384x1024xf32, #tpu.memory_space<hbm>> -> memref<32x128xf32, #tpu.memory_space<hbm>>
    %dma_wait3A_251 = arith.constant 64 : i32
    %dma_wait3A_252 = arith.constant 0 : i32
    %dma_wait3A_253 = tpu.memref_slice %arg13[%dma_wait3A_251, %dma_wait3A_252] : memref<128x128xf32, #tpu.memory_space<vmem>> -> memref<32x128xf32, #tpu.memory_space<vmem>>
    tpu.wait_dma2 semaphore(%dma_wait3A_247 : memref<!tpu.dma_semaphore, #tpu.memory_space<semaphore_mem>>) src(%dma_wait3A_253 : memref<32x128xf32, #tpu.memory_space<vmem>>) dst(%dma_wait3A_250 : memref<32x128xf32, #tpu.memory_space<hbm>>)
    %dma_wait3A_254 = arith.constant 2 : i32
    %dma_wait3A_255 = arith.constant 96 : i32
    %dma_wait3A_256 = arith.constant 0 : i32
    %dma_wait3A_257 = tpu.memref_slice %arg13[%dma_wait3A_255, %dma_wait3A_256] : memref<128x128xf32, #tpu.memory_space<vmem>> -> memref<32x128xf32, #tpu.memory_space<vmem>>
    %dma_wait3A_258 = arith.constant 0 : i32
    %dma_wait3A_259 = arith.constant 0 : i32
    %dma_wait3A_260 = tpu.memref_slice %arg5[%dma_wait3A_258, %dma_wait3A_259] : memref<16384x1024xf32, #tpu.memory_space<hbm>> -> memref<32x128xf32, #tpu.memory_space<hbm>>
    %dma_wait3A_261 = tpu.memref_slice %arg19[%dma_wait3A_254] : memref<4x!tpu.dma_semaphore, #tpu.memory_space<semaphore_mem>> -> memref<1x!tpu.dma_semaphore, #tpu.memory_space<semaphore_mem>>
    %dma_wait3A_262 = tpu.memref_squeeze %dma_wait3A_261 : memref<1x!tpu.dma_semaphore, #tpu.memory_space<semaphore_mem>> -> memref<!tpu.dma_semaphore, #tpu.memory_space<semaphore_mem>>
    %dma_wait3A_263 = arith.constant 0 : i32
    %dma_wait3A_264 = arith.constant 0 : i32
    %dma_wait3A_265 = tpu.memref_slice %arg5[%dma_wait3A_263, %dma_wait3A_264] : memref<16384x1024xf32, #tpu.memory_space<hbm>> -> memref<32x128xf32, #tpu.memory_space<hbm>>
    %dma_wait3A_266 = arith.constant 96 : i32
    %dma_wait3A_267 = arith.constant 0 : i32
    %dma_wait3A_268 = tpu.memref_slice %arg13[%dma_wait3A_266, %dma_wait3A_267] : memref<128x128xf32, #tpu.memory_space<vmem>> -> memref<32x128xf32, #tpu.memory_space<vmem>>
    tpu.wait_dma2 semaphore(%dma_wait3A_262 : memref<!tpu.dma_semaphore, #tpu.memory_space<semaphore_mem>>) src(%dma_wait3A_268 : memref<32x128xf32, #tpu.memory_space<vmem>>) dst(%dma_wait3A_265 : memref<32x128xf32, #tpu.memory_space<hbm>>)
    %dma_wait3A_269 = arith.constant 3 : i32
    %dma_wait3A_270 = arith.constant 0 : i32
    %dma_wait3A_271 = arith.constant 0 : i32
    %dma_wait3A_272 = tpu.memref_slice %arg14[%dma_wait3A_270, %dma_wait3A_271] : memref<128x128xf32, #tpu.memory_space<vmem>> -> memref<32x128xf32, #tpu.memory_space<vmem>>
    %dma_wait3A_273 = arith.constant 0 : i32
    %dma_wait3A_274 = arith.constant 0 : i32
    %dma_wait3A_275 = tpu.memref_slice %arg5[%dma_wait3A_273, %dma_wait3A_274] : memref<16384x1024xf32, #tpu.memory_space<hbm>> -> memref<32x128xf32, #tpu.memory_space<hbm>>
    %dma_wait3A_276 = tpu.memref_slice %arg19[%dma_wait3A_269] : memref<4x!tpu.dma_semaphore, #tpu.memory_space<semaphore_mem>> -> memref<1x!tpu.dma_semaphore, #tpu.memory_space<semaphore_mem>>
    %dma_wait3A_277 = tpu.memref_squeeze %dma_wait3A_276 : memref<1x!tpu.dma_semaphore, #tpu.memory_space<semaphore_mem>> -> memref<!tpu.dma_semaphore, #tpu.memory_space<semaphore_mem>>
    %dma_wait3A_278 = arith.constant 0 : i32
    %dma_wait3A_279 = arith.constant 0 : i32
    %dma_wait3A_280 = tpu.memref_slice %arg5[%dma_wait3A_278, %dma_wait3A_279] : memref<16384x1024xf32, #tpu.memory_space<hbm>> -> memref<32x128xf32, #tpu.memory_space<hbm>>
    %dma_wait3A_281 = arith.constant 0 : i32
    %dma_wait3A_282 = arith.constant 0 : i32
    %dma_wait3A_283 = tpu.memref_slice %arg14[%dma_wait3A_281, %dma_wait3A_282] : memref<128x128xf32, #tpu.memory_space<vmem>> -> memref<32x128xf32, #tpu.memory_space<vmem>>
    tpu.wait_dma2 semaphore(%dma_wait3A_277 : memref<!tpu.dma_semaphore, #tpu.memory_space<semaphore_mem>>) src(%dma_wait3A_283 : memref<32x128xf32, #tpu.memory_space<vmem>>) dst(%dma_wait3A_280 : memref<32x128xf32, #tpu.memory_space<hbm>>)
    %dma_wait3A_284 = arith.constant 3 : i32
    %dma_wait3A_285 = arith.constant 32 : i32
    %dma_wait3A_286 = arith.constant 0 : i32
    %dma_wait3A_287 = tpu.memref_slice %arg14[%dma_wait3A_285, %dma_wait3A_286] : memref<128x128xf32, #tpu.memory_space<vmem>> -> memref<32x128xf32, #tpu.memory_space<vmem>>
    %dma_wait3A_288 = arith.constant 0 : i32
    %dma_wait3A_289 = arith.constant 0 : i32
    %dma_wait3A_290 = tpu.memref_slice %arg5[%dma_wait3A_288, %dma_wait3A_289] : memref<16384x1024xf32, #tpu.memory_space<hbm>> -> memref<32x128xf32, #tpu.memory_space<hbm>>
    %dma_wait3A_291 = tpu.memref_slice %arg19[%dma_wait3A_284] : memref<4x!tpu.dma_semaphore, #tpu.memory_space<semaphore_mem>> -> memref<1x!tpu.dma_semaphore, #tpu.memory_space<semaphore_mem>>
    %dma_wait3A_292 = tpu.memref_squeeze %dma_wait3A_291 : memref<1x!tpu.dma_semaphore, #tpu.memory_space<semaphore_mem>> -> memref<!tpu.dma_semaphore, #tpu.memory_space<semaphore_mem>>
    %dma_wait3A_293 = arith.constant 0 : i32
    %dma_wait3A_294 = arith.constant 0 : i32
    %dma_wait3A_295 = tpu.memref_slice %arg5[%dma_wait3A_293, %dma_wait3A_294] : memref<16384x1024xf32, #tpu.memory_space<hbm>> -> memref<32x128xf32, #tpu.memory_space<hbm>>
    %dma_wait3A_296 = arith.constant 32 : i32
    %dma_wait3A_297 = arith.constant 0 : i32
    %dma_wait3A_298 = tpu.memref_slice %arg14[%dma_wait3A_296, %dma_wait3A_297] : memref<128x128xf32, #tpu.memory_space<vmem>> -> memref<32x128xf32, #tpu.memory_space<vmem>>
    tpu.wait_dma2 semaphore(%dma_wait3A_292 : memref<!tpu.dma_semaphore, #tpu.memory_space<semaphore_mem>>) src(%dma_wait3A_298 : memref<32x128xf32, #tpu.memory_space<vmem>>) dst(%dma_wait3A_295 : memref<32x128xf32, #tpu.memory_space<hbm>>)
    %dma_wait3A_299 = arith.constant 3 : i32
    %dma_wait3A_300 = arith.constant 64 : i32
    %dma_wait3A_301 = arith.constant 0 : i32
    %dma_wait3A_302 = tpu.memref_slice %arg14[%dma_wait3A_300, %dma_wait3A_301] : memref<128x128xf32, #tpu.memory_space<vmem>> -> memref<32x128xf32, #tpu.memory_space<vmem>>
    %dma_wait3A_303 = arith.constant 0 : i32
    %dma_wait3A_304 = arith.constant 0 : i32
    %dma_wait3A_305 = tpu.memref_slice %arg5[%dma_wait3A_303, %dma_wait3A_304] : memref<16384x1024xf32, #tpu.memory_space<hbm>> -> memref<32x128xf32, #tpu.memory_space<hbm>>
    %dma_wait3A_306 = tpu.memref_slice %arg19[%dma_wait3A_299] : memref<4x!tpu.dma_semaphore, #tpu.memory_space<semaphore_mem>> -> memref<1x!tpu.dma_semaphore, #tpu.memory_space<semaphore_mem>>
    %dma_wait3A_307 = tpu.memref_squeeze %dma_wait3A_306 : memref<1x!tpu.dma_semaphore, #tpu.memory_space<semaphore_mem>> -> memref<!tpu.dma_semaphore, #tpu.memory_space<semaphore_mem>>
    %dma_wait3A_308 = arith.constant 0 : i32
    %dma_wait3A_309 = arith.constant 0 : i32
    %dma_wait3A_310 = tpu.memref_slice %arg5[%dma_wait3A_308, %dma_wait3A_309] : memref<16384x1024xf32, #tpu.memory_space<hbm>> -> memref<32x128xf32, #tpu.memory_space<hbm>>
    %dma_wait3A_311 = arith.constant 64 : i32
    %dma_wait3A_312 = arith.constant 0 : i32
    %dma_wait3A_313 = tpu.memref_slice %arg14[%dma_wait3A_311, %dma_wait3A_312] : memref<128x128xf32, #tpu.memory_space<vmem>> -> memref<32x128xf32, #tpu.memory_space<vmem>>
    tpu.wait_dma2 semaphore(%dma_wait3A_307 : memref<!tpu.dma_semaphore, #tpu.memory_space<semaphore_mem>>) src(%dma_wait3A_313 : memref<32x128xf32, #tpu.memory_space<vmem>>) dst(%dma_wait3A_310 : memref<32x128xf32, #tpu.memory_space<hbm>>)
    %dma_wait3A_314 = arith.constant 3 : i32
    %dma_wait3A_315 = arith.constant 96 : i32
    %dma_wait3A_316 = arith.constant 0 : i32
    %dma_wait3A_317 = tpu.memref_slice %arg14[%dma_wait3A_315, %dma_wait3A_316] : memref<128x128xf32, #tpu.memory_space<vmem>> -> memref<32x128xf32, #tpu.memory_space<vmem>>
    %dma_wait3A_318 = arith.constant 0 : i32
    %dma_wait3A_319 = arith.constant 0 : i32
    %dma_wait3A_320 = tpu.memref_slice %arg5[%dma_wait3A_318, %dma_wait3A_319] : memref<16384x1024xf32, #tpu.memory_space<hbm>> -> memref<32x128xf32, #tpu.memory_space<hbm>>
    %dma_wait3A_321 = tpu.memref_slice %arg19[%dma_wait3A_314] : memref<4x!tpu.dma_semaphore, #tpu.memory_space<semaphore_mem>> -> memref<1x!tpu.dma_semaphore, #tpu.memory_space<semaphore_mem>>
    %dma_wait3A_322 = tpu.memref_squeeze %dma_wait3A_321 : memref<1x!tpu.dma_semaphore, #tpu.memory_space<semaphore_mem>> -> memref<!tpu.dma_semaphore, #tpu.memory_space<semaphore_mem>>
    %dma_wait3A_323 = arith.constant 0 : i32
    %dma_wait3A_324 = arith.constant 0 : i32
    %dma_wait3A_325 = tpu.memref_slice %arg5[%dma_wait3A_323, %dma_wait3A_324] : memref<16384x1024xf32, #tpu.memory_space<hbm>> -> memref<32x128xf32, #tpu.memory_space<hbm>>
    %dma_wait3A_326 = arith.constant 96 : i32
    %dma_wait3A_327 = arith.constant 0 : i32
    %dma_wait3A_328 = tpu.memref_slice %arg14[%dma_wait3A_326, %dma_wait3A_327] : memref<128x128xf32, #tpu.memory_space<vmem>> -> memref<32x128xf32, #tpu.memory_space<vmem>>
    tpu.wait_dma2 semaphore(%dma_wait3A_322 : memref<!tpu.dma_semaphore, #tpu.memory_space<semaphore_mem>>) src(%dma_wait3A_328 : memref<32x128xf32, #tpu.memory_space<vmem>>) dst(%dma_wait3A_325 : memref<32x128xf32, #tpu.memory_space<hbm>>)
    return
  }
}

</mosaic_0001>

<sc_bundles>
// kernel: kernel.3.cloned.1.call-start
scs
__scs_entry_jumppad:
0x0: {  	(pc) =	sbr.rel $0x88, $3  }
0x1: {  	(tag) =	ssettag $0x0;
	lr =	simm.s32 $0x1  }
0x2: {  	[smem:$0x3F9E] =	sst lr;
	_ =	strace $0xD0000000  }
0x3: {  	_ = 	snop  }
0x4: {  	_ = 	snop  }
0x5: {  	_ = 	snop  }
0x6: {  	_ = 	snop  }
0x7: {  	_ = 	snop  }
__scs_overlays_trampoline_lowered:
0x8: {  	[smem:$0x3FAD] =	sst s0  }
0x9: {  	[smem:$0x3FAE] =	sst s1  }
0xa: {  	[smem:$0x3FAF] =	sst s2  }
0xb: {  	[smem:$0x3FB0] =	sst s3  }
0xc: {  	[smem:$0x3FB1] =	sst s4  }
0xd: {  	[smem:$0x3FB2] =	sst s5  }
0xe: {  	[smem:$0x3FB3] =	sst s6  }
0xf: {  	[smem:$0x3FB4] =	sst s7  }
0x10: {  	[smem:$0x3FB5] =	sst s8  }
0x11: {  	[smem:$0x3FB6] =	sst s9;
	s0 =	simm.s32 @!p0 $0x0  }
0x12: {  	s1 =	sld [smem:$0x3F9C];
	s0 =	simm.s32 @p0 $0x1  }
0x13: {  	[smem:$0x3FB7] =	sst s0;
	s0 =	simm.s32 @!p1 $0x0  }
0x14: {  	s2 =	sld [smem:$0x3F9B];
	s0 =	simm.s32 @p1 $0x1  }
0x15: {  	[smem:$0x3FB8] =	sst s0;
	s0 =	simm.s32 @!p2 $0x0  }
0x16: {  	s3 =	sld [smem:$0x3FDB];
	s0 =	simm.s32 @p2 $0x1  }
0x17: {  	s4 =	simm.s32 $0x1BF5;
	[smem:$0x3FBA] =	sst s0  }
0x18: {  	s0 =	sld [smem:$0x3F9D];
	_ =	swait.ge [sflag:s4], $0x0  }
0x19: {  	s7 =	sld [smem:$0x3F9E]  }
0x1a: {  	s8 =	sadd.s32 $0xFFFFE003, lr  }
0x1b: {  	s9 =	sadd.s32 $0xFFFFFEF7, lr;
	s5 =	simm.s32 $0xFFFFFFFF;
	p2 =	slt.u32 s8, $0xFFFFF086  }
0x1c: {  	p1 =	slt.u32 s9, $0xF7A;
	s5 =	simm.s32 @!p2 $0x0  }
0x1d: {  	s5 =	simm.s32 @p1 $0x1;
	p0 =	seq.s32 s7, s2  }
0x1e: {  	s7 =	smul.u32 @!p0 $0xF7A, s2;
	p2 =	seq.s32 @!p0 s5, $0x0  }
0x1f: {  	s9 =	smul.u32 $0xF7A, s1;
	s8 =	simm.s32 @!p0 $0x1BF5;
	p2 =	por !p2, p0  }
0x20: {  	[sflag:s8] =	ssyncset.s32 @!p0 $0xFFFFF086;
	s6 =	sadd.s32 @!p0 s3, s7;
	s7 =	simm.s32 @!p0 $0x108  }
0x21: {  	s3 =	sadd.s32 s3, s9;
	s6 =	sadd.s32 @!p0 $0x88, s6;
	s7 =	simm.s32 @p2 $0x1082  }
0x22: {  	[simem:s7], [sflag:s8] =	dma.local @!p0 [hbm:s6], $0xF7A  }
0x23: {  	s9 =	sor.u32 $0xD0000000, s2;
	s6 =	simm.s32 $0x108;
	_ =	swait.ge @!p0 [sflag:s8], $0x0  }
0x24: {  	s3 =	sadd.s32 $0x88, s3;
	s6 =	simm.s32 @!p1 $0x1082;
	[sflag:s4] =	ssyncset.s32 $0xFFFFF086  }
0x25: {  	[simem:s6], [sflag:s4] =	dma.local [hbm:s3], $0xF7A  }
0x26: {  	[smem:$0x3F9E] =	sst s1;
	(tag) =	ssettag s2;
	_ =	strace s9  }
0x27: {  	s1 =	sld [smem:$0x3FAE]  }
0x28: {  	s2 =	sld [smem:$0x3FAF]  }
0x29: {  	s4 =	sld [smem:$0x3FB1]  }
0x2a: {  	p0 =	seq.s32 s5, $0x0;
	s5 =	sld [smem:$0x3FB2]  }
0x2b: {  	s6 =	sld [smem:$0x3FB3]  }
0x2c: {  	s7 =	sld [smem:$0x3FB4]  }
0x2d: {  	s3 =	simm.s32 $0x108;
	s8 =	sld [smem:$0x3FB5]  }
0x2e: {  	s3 =	simm.s32 @!p0 $0x1082;
	s9 =	sld [smem:$0x3FB6]  }
0x2f: {  	lr =	sadd.s32 s0, s3;
	s0 =	sld [smem:$0x3FAD]  }
0x30: {  	s3 =	sld [smem:$0x3FB0]  }
0x31: {  	[smem:$0x3FB9] =	sst s10  }
0x32: {  	s10 =	sld [smem:$0x3FB7];
	_ =	sdelay $0x3  }
0x33: {  	p0 =	seq.s32 s10, $0x1;
	s10 =	sld [smem:$0x3FB9];
	_ =	sdelay $0x3  }
0x34: {  	[smem:$0x3FB9] =	sst s10  }
0x35: {  	s10 =	sld [smem:$0x3FB8];
	_ =	sdelay $0x3  }
0x36: {  	p1 =	seq.s32 s10, $0x1;
	s10 =	sld [smem:$0x3FB9];
	_ =	sdelay $0x3  }
0x37: {  	[smem:$0x3FB9] =	sst s10  }
0x38: {  	s10 =	sld [smem:$0x3FBA]  }
0x39: {  	_ = 	snop;
	(pc) =	sbr.ind lr, $3  }
0x3a: {  	_ = 	snop  }
0x3b: {  	_ = 	snop  }
0x3c: {  	p2 =	seq.s32 s10, $0x1;
	s10 =	sld [smem:$0x3FB9]  }
0x3d: {  	_ =	shalt  }
0x3e: {  	_ =	shalt  }
0x3f: {  	_ =	shalt  }
0x40: {  	_ =	shalt  }
0x41: {  	_ =	shalt  }
0x42: {  	_ =	shalt  }
0x43: {  	_ =	shalt  }
0x44: {  	_ =	shalt  }
0x45: {  	_ =	shalt  }
0x46: {  	_ =	shalt  }
0x47: {  	_ =	shalt  }
0x48: {  	_ =	shalt  }
0x49: {  	_ =	shalt  }
0x4a: {  	_ =	shalt  }
0x4b: {  	_ =	shalt  }
0x4c: {  	_ =	shalt  }
0x4d: {  	_ =	shalt  }
0x4e: {  	_ =	shalt  }
0x4f: {  	_ =	shalt  }
0x50: {  	_ =	shalt  }
0x51: {  	_ =	shalt  }
0x52: {  	_ =	shalt  }
0x53: {  	_ =	shalt  }
0x54: {  	_ =	shalt  }
0x55: {  	_ =	shalt  }
0x56: {  	_ =	shalt  }
0x57: {  	_ =	shalt  }
0x58: {  	_ =	shalt  }
0x59: {  	_ =	shalt  }
0x5a: {  	_ =	shalt  }
0x5b: {  	_ =	shalt  }
0x5c: {  	_ =	shalt  }
0x5d: {  	_ =	shalt  }
0x5e: {  	_ =	shalt  }
0x5f: {  	_ =	shalt  }
0x60: {  	_ =	shalt  }
0x61: {  	_ =	shalt  }
0x62: {  	_ =	shalt  }
0x63: {  	_ =	shalt  }
0x64: {  	_ =	shalt  }
0x65: {  	_ =	shalt  }
0x66: {  	_ =	shalt  }
0x67: {  	_ =	shalt  }
0x68: {  	_ =	shalt  }
0x69: {  	_ =	shalt  }
0x6a: {  	_ =	shalt  }
0x6b: {  	_ =	shalt  }
0x6c: {  	_ =	shalt  }
0x6d: {  	_ =	shalt  }
0x6e: {  	_ =	shalt  }
0x6f: {  	_ =	shalt  }
0x70: {  	_ =	shalt  }
0x71: {  	_ =	shalt  }
0x72: {  	_ =	shalt  }
0x73: {  	_ =	shalt  }
0x74: {  	_ =	shalt  }
0x75: {  	_ =	shalt  }
0x76: {  	_ =	shalt  }
0x77: {  	_ =	shalt  }
0x78: {  	_ =	shalt  }
0x79: {  	_ =	shalt  }
0x7a: {  	_ =	shalt  }
0x7b: {  	_ =	shalt  }
0x7c: {  	_ =	shalt  }
0x7d: {  	_ =	shalt  }
0x7e: {  	_ =	shalt  }
0x7f: {  	_ =	shalt  }
0x80: {  	_ =	shalt  }
0x81: {  	_ =	shalt  }
0x82: {  	_ =	shalt  }
0x83: {  	_ =	shalt  }
0x84: {  	_ =	shalt  }
0x85: {  	_ =	shalt  }
0x86: {  	_ =	shalt  }
0x87: {  	_ =	shalt  }
.Lfunc_end0:
.L_simem_size_0:
called_computation_lowered:
.L_overlay_start_0:
0x88: {  	s2 =	sld [smem:$0x3FD9]  }
0x89: {  	s3 =	sld [smem:$0x3FFE];
	_ =	sdelay $0x1  }
0x8a: {  	s1 =	srdreg.scid  }
0x8b: {  	s0 =	sand.u32 $0x1, s1  }
0x8c: {  	s17 =	sshll.u32 s0, $0xA;
	s2 =	sadd.s32 s3, s2  }
0x8d: {  	s2 =	sadd.s32 s2, s17  }
0x8e: {  	[smem:$0x3FC5] =	sst s2  }
0x8f: {  	_ = 	snop  }
0x90: {  	s2 =	sld [smem:$0x3FC8]  }
0x91: {  	s18 =	sld [smem:$0x3FC7]  }
0x92: {  	s4 =	sld [smem:$0x3FD0];
	(tm) =	ssettm $0x1  }
0x93: {  	s5 =	sld [smem:$0x3FFB];
	_ =	sdelay $0x3  }
0x94: {  	_ =	strace s5  }
0x95: {  	s5 =	sld [smem:$0x3FFC];
	_ =	sdelay $0x3  }
0x96: {  	_ =	strace s5  }
0x97: {  	s5 =	sld [smem:$0x3FFD];
	_ =	sdelay $0x3  }
0x98: {  	_ =	strace s5  }
0x99: {  	_ =	strace $0x8FFFFFFF  }
0x9a: {  	s19 =	sld [smem:$0x3FDB];
	_ =	sdelay $0x1  }
0x9b: {  	s6 =	simm.s32 $_scs_section_size  }
0x9c: {  	s7 =	simm.s32 $_size__tile_overlayer_lowered;
	s8 =	simm.s32 $_tile_overlayer_lowered  }
0x9d: {  	s22 =	simm.s32 $0x1BFF;
	s21 =	sshll.u32 s8, $0x1;
	s5 =	sadd.s32 s6, s19  }
0x9e: {  	s9 =	simm.s32 $0x0;
	s20 =	sshll.u32 s7, $0x1;
	s7 =	sadd.s32 s21, s5  }
0x9f: {  	[timem:s9], [sflag:s22] =	dma.local [hbm:s7], s20  }
0xa0: {  	_ =	swait.ge [sflag:s22], s20  }
0xa1: {  	s6 =	ssub.s32 $0x0, s20;
	[sflag:s22] =	ssyncset.done $0x0  }
0xa2: {  	[sflag:s22] =	ssyncadd.s32 s6;
	_ =	sdelay $0x1  }
0xa3: {  	s23 =	simm.s32 $0x1B8B  }
0xa4: {  	_ =	swait.ge [sflag:s23], $0x1  }
0xa5: {  	[sflag:s23] =	ssyncset.done $0x0  }
0xa6: {  	s25 =	simm.s32 $0x1B8E;
	s24 =	sld [smem:$0x3FFE];
	[sflag:s23] =	ssyncadd.s32 $0xFFFFFFFF  }
0xa7: {  	s26 =	simm.s32 $execute0_lowered;
	[smem:$0x3FD2] =	sst s25  }
0xa8: {  	s7 =	sshll.u32 s26, $0x1;
	_ =	strace $0x80000046;
	[dreg:$0x1] =	wrdreg $0xFFFFFFFF  }
0xa9: {  	s28 =	simm.s32 $_size_execute0_lowered;
	s5 =	sadd.s32 s5, s7;
	[dreg:$0x0] =	wrdreg $0x0  }
0xaa: {  	s7 =	sshll.u32 s28, $0x1;
	[dreg:$0x2] =	wrdreg s5  }
0xab: {  	[dreg:$0x3] =	wrdreg s7  }
0xac: {  	[dreg:$0x4] =	wrdreg $0xC0  }
0xad: {  	_ =	task [dreg:s9], $0x5FFFF  }
0xae: {  	[dreg:$0x1] =	wrdreg $0xFFFFFFFF  }
0xaf: {  	[dreg:$0x0] =	wrdreg $0x60  }
0xb0: {  	[dreg:$0x2] =	wrdreg s2  }
0xb1: {  	[dreg:$0x3] =	wrdreg s24  }
0xb2: {  	[dreg:$0x4] =	wrdreg s18  }
0xb3: {  	[dreg:$0x5] =	wrdreg s4  }
0xb4: {  	[dreg:$0x6] =	wrdreg $0x182000  }
0xb5: {  	[dreg:$0x7] =	wrdreg $0x9  }
0xb6: {  	_ =	task.clear_ibuf [dreg:s9], $0x8FFFF;
	_ =	strace $0x90000046  }
0xb7: {  	s29 =	simm.s32 $0x9;
	_ =	strace $0x80000048  }
0xb8: {  	_ =	swait.ge [sflag:s29], $0x1  }
0xb9: {  	[sflag:s29] =	ssyncadd.s32 $0xFFFFFFFF  }
0xba: {  	_ =	strace $0x90000048  }
0xbb: {  	_ =	sfence  }
0xbc: {  	s30 =	sld [smem:$0x0];
	_ =	sdelay $0x2  }
0xbd: {  	s31 =	sshll.u32 s1, $0xD;
	s1 =	sshrl.u32 s1, $0x2  }
0xbe: {  	s3 =	sand.u32 $0x4000, s31;
	s1 =	sadd.s32 s1, s30  }
0xbf: {  	s0 =	sor.u32 s3, s0;
	s1 =	sshll.u32 s1, $0x11  }
0xc0: {  	s0 =	sor.u32 s1, s0  }
0xc1: {  	s0 =	sadd.s32 $0x8F2B, s0  }
0xc2: {  	[sflag:s0] =	ssyncadd.remote.s32 $0x1  }
0xc3: {  	_ =	sfence.sel $0xFFFF  }
0xc4: {  	[dreg:$0x0] =	wrdreg $0xFFFFFFFF;
	(pc) =	sbr.abs _section_cstart, $3  }
0xc5: {  	[dreg:$0x1] =	wrdreg $0xFFFFFFFF  }
0xc6: {  	_ =	task.clear_ibuf [dreg:s9], $0x2FFFF;
	_ =	strace $0x9FFFFFFF  }
0xc7: {  	(tm) =	ssettm $0x7FFFFFFF  }
tec
execute0_lowered:
.L_overlay_start_1:
0x0: {  	(tag) =	ssettag $0x1  }
0x1: {  	s2 =	rddreg [dreg:$0x0]  }
0x2: {  	s3 =	rddreg [dreg:$0x2]  }
0x3: {  	s0 =	rddreg [dreg:$0x3];
	s1 =	srdreg.scid;
	s7 =	simm.s32 $0x0  }
0x4: {  	s9 =	stileid.u32;
	s31 =	simm.s32 $0x400;
	s28 =	simm.s32 $0x10200  }
0x5: {  	s30 =	simm.s32 $0x9;
	s1 =	sand.u32 $0x1, s1;
	s5 =	sshll.u32 s9, $0xF  }
0x6: {  	[smem:$0x7FF] =	sst s7;
	s8 =	sshll.u32 s9, $0x12;
	s6 =	sshll.u32 s1, $0xC  }
0x7: {  	s29 =	sshll.u32 s9, $0xA;
	s4 =	ssub.s32 $0x2, s1;
	s5 =	sor.u32 s6, s5  }
0x8: {  	s16 =	sshrl.u32 s4, $0x1;
	s6 =	sor.u32 s6, s8;
	s17 =	sshrl.u32 s5, $0x3  }
0x9: {  	s18 =	sor.u32 $0x400, s5;
	s20 =	sor.u32 $0x800, s5;
	s21 =	sor.u32 $0x10000, s6  }
0xa: {  	s5 =	sor.u32 $0xC00, s5;
	s22 =	sor.u32 $0xC00C00, s6;
	s24 =	sor.u32 $0xC00800, s6  }
0xb: {  	s25 =	sor.u32 $0xC00400, s6;
	s26 =	sor.u32 $0xC00000, s6;
	s8 =	sor.u32 $0x800C00, s6  }
0xc: {  	s1 =	ssub.s32 s4, s16;
	s10 =	sor.u32 $0x800800, s6;
	s11 =	sor.u32 $0x800400, s6  }
0xd: {  	s14 =	sor.u32 $0x800000, s6;
	s15 =	sor.u32 $0x400C00, s6;
	s16 =	sor.u32 $0x400800, s6  }
0xe: {  	s4 =	sadd.s32 s2, s17;
	s19 =	sshrl.u32 s18, $0x3;
	s5 =	sshrl.u32 s5, $0x3  }
0xf: {  	s23 =	sshrl.u32 s22, $0x3;
	[dreg:$0x6] =	wrdreg s4;
	s4 =	sadd.s32 s2, s19  }
0x10: {  	s13 =	sshrl.u32 s11, $0x3;
	[dreg:$0x7] =	wrdreg s4;
	s4 =	sshrl.u32 s20, $0x3  }
0x11: {  	s18 =	sshrl.u32 s16, $0x3;
	s1 =	smax.u32 s1, $0x1;
	s4 =	sadd.s32 s2, s4  }
0x12: {  	s2 =	sadd.s32 s2, s5;
	s5 =	sshrl.u32 s26, $0x3;
	s26 =	rddreg [dreg:$0x1]  }
0x13: {  	s19 =	sor.u32 $0x400400, s6;
	s20 =	sor.u32 $0x400000, s6;
	[dreg:$0x8] =	wrdreg s4  }
0x14: {  	[dreg:$0x9] =	wrdreg s2;
	s4 =	sshrl.u32 s6, $0x3;
	s2 =	sshrl.u32 s21, $0x3  }
0x15: {  	s21 =	sor.u32 $0xC00, s6;
	s26 =	sadd.s32 $0x400, s26;
	s7 =	sadd.s32 s3, s4  }
0x16: {  	s2 =	sadd.s32 s2, s3;
	s3 =	sshrl.u32 s25, $0x3;
	s25 =	sor.u32 $0x400, s6  }
0x17: {  	[dreg:$0xb] =	wrdreg s2;
	s2 =	sadd.s32 s23, s0;
	s3 =	sadd.s32 s3, s0  }
0x18: {  	s23 =	sshrl.u32 s21, $0x3;
	[dreg:$0xc] =	wrdreg s2;
	s2 =	sshrl.u32 s24, $0x3  }
0x19: {  	[dreg:$0xe] =	wrdreg s3;
	s3 =	sshrl.u32 s10, $0x3;
	s2 =	sadd.s32 s2, s0  }
0x1a: {  	s21 =	sor.u32 $0x4000, s29;
	s12 =	sadd.s32 s3, s0;
	[dreg:$0xd] =	wrdreg s2  }
0x1b: {  	s3 =	sshrl.u32 s15, $0x3;
	s2 =	sadd.s32 s5, s0;
	[dreg:$0x11] =	wrdreg s12  }
0x1c: {  	s17 =	sadd.s32 s3, s0;
	[dreg:$0xf] =	wrdreg s2;
	s2 =	sshrl.u32 s8, $0x3  }
0x1d: {  	s24 =	sor.u32 $0x800, s6;
	[dreg:$0x14] =	wrdreg s17;
	s2 =	sadd.s32 s2, s0  }
0x1e: {  	s11 =	sshrl.u32 s21, $0x3;
	[dreg:$0x10] =	wrdreg s2;
	s2 =	sadd.s32 s13, s0  }
0x1f: {  	s3 =	sshrl.u32 s20, $0x3;
	[dreg:$0x12] =	wrdreg s2;
	s2 =	sshrl.u32 s14, $0x3  }
0x20: {  	s22 =	sadd.s32 s3, s0;
	s3 =	sshrl.u32 s25, $0x3;
	s2 =	sadd.s32 s2, s0  }
0x21: {  	s25 =	sadd.s32 s4, s0;
	[dreg:$0x13] =	wrdreg s2;
	s2 =	sadd.s32 s18, s0  }
0x22: {  	s4 =	sshll.u32 s9, $0xC;
	[dreg:$0x15] =	wrdreg s2;
	s2 =	sshrl.u32 s19, $0x3  }
0x23: {  	s8 =	sshll.u32 s9, $0x6;
	[dreg:$0x17] =	wrdreg s22;
	s2 =	sadd.s32 s2, s0  }
0x24: {  	s9 =	sshll.u32 s9, $0x7;
	[dreg:$0x16] =	wrdreg s2;
	s2 =	sadd.s32 s23, s0  }
0x25: {  	s20 =	sadd.s32 $0x1000, s7;
	s10 =	sadd.s32 s26, s9;
	[dreg:$0x18] =	wrdreg s2  }
0x26: {  	s23 =	sadd.s32 s3, s0;
	s2 =	sshrl.u32 s24, $0x3;
	s24 =	rddreg [dreg:$0x4]  }
0x27: {  	s3 =	sadd.s32 s26, s11;
	_ =	strace $0x80000047;
	[dreg:$0x1b] =	wrdreg s10  }
0x28: {  	s5 =	simm.s32 $0x80;
	s9 =	simm.s32 $0x5;
	[dreg:$0x1c] =	wrdreg s3  }
0x29: {  	s22 =	sadd.s32 s2, s0;
	s6 =	sadd.s32 s4, s24;
	[dreg:$0x1f] =	wrdreg s1  }
0x2a: {  	s0 =	sor.u32 $0x1C0F, s8;
	s2 =	sor.u32 $0xC000, s29;
	[dreg:$0xa] =	wrdreg s7  }
0x2b: {  	[smem:$0x7FD] =	sst s20;
	s4 =	simm.s32 $0x2000;
	s7 =	simm.s32 $0xA  }
0x2c: {  	s8 =	simm.s32 $0xD;
	[dreg:$0x1a] =	wrdreg s0;
	s0 =	sor.u32 $0x8000, s29  }
0x2d: {  	s13 =	sshrl.u32 s2, $0x3;
	s15 =	sadd.s32 $0x10000, s6;
	s16 =	sadd.s32 $0x20000, s6  }
0x2e: {  	[dreg:$0x19] =	wrdreg s6;
	s17 =	sadd.s32 $0x30000, s6;
	s14 =	sadd.s32 s26, s13  }
.Ltmp0:
0x2f: {  	s1 =	sshrl.u32 s15, $0x3;
	[dreg:$0x1e] =	wrdreg s14;
	(pc) =	sbr.rel .LBB2_1-.Ltmp0, $4  }
0x30: {  	s6 =	simm.s32 $0x8;
	s18 =	sshrl.u32 s16, $0x3;
	[smem:$0x7FA] =	sst s1  }
0x31: {  	s12 =	sshrl.u32 s0, $0x3;
	s19 =	sshrl.u32 s17, $0x3;
	[smem:$0x7FB] =	sst s18  }
0x32: {  	s3 =	sadd.s32 s26, s12;
	[smem:$0x7FC] =	sst s19;
	s1 =	simm.s32 $0x14200  }
0x33: {  	s12 =	simm.s32 $0x0;
	[dreg:$0x1d] =	wrdreg s3;
	s3 =	simm.s32 $0x7  }
.LBB2_6:
0x34: {  	s10 =	simm.s32 $0xB  }
0x35: {  	_ =	swait.ge [sflag:s10], $0x1000  }
0x36: {  	[sflag:s10] =	ssyncset.done $0x0  }
0x37: {  	[sflag:s10] =	ssyncadd.s32 $0xFFFFF000  }
0x38: {  	_ =	swait.ge [sflag:s10], $0x1000  }
0x39: {  	[sflag:s10] =	ssyncset.done $0x0  }
0x3a: {  	[sflag:s10] =	ssyncadd.s32 $0xFFFFF000  }
0x3b: {  	_ =	swait.ge [sflag:s10], $0x1000  }
0x3c: {  	[sflag:s10] =	ssyncset.done $0x0  }
0x3d: {  	[sflag:s10] =	ssyncadd.s32 $0xFFFFF000  }
0x3e: {  	_ =	swait.ge [sflag:s10], $0x1000  }
0x3f: {  	[sflag:s10] =	ssyncset.done $0x0  }
0x40: {  	s19 =	simm.s32 $0xC;
	[sflag:s10] =	ssyncadd.s32 $0xFFFFF000  }
0x41: {  	_ =	swait.ge [sflag:s19], $0x1000  }
0x42: {  	[sflag:s19] =	ssyncset.done $0x0  }
0x43: {  	[sflag:s19] =	ssyncadd.s32 $0xFFFFF000  }
0x44: {  	_ =	swait.ge [sflag:s19], $0x1000  }
0x45: {  	[sflag:s19] =	ssyncset.done $0x0  }
0x46: {  	[sflag:s19] =	ssyncadd.s32 $0xFFFFF000  }
0x47: {  	_ =	swait.ge [sflag:s19], $0x1000  }
0x48: {  	[sflag:s19] =	ssyncset.done $0x0  }
0x49: {  	[sflag:s19] =	ssyncadd.s32 $0xFFFFF000  }
0x4a: {  	_ =	swait.ge [sflag:s19], $0x1000  }
0x4b: {  	[sflag:s19] =	ssyncset.done $0x0  }
0x4c: {  	[sflag:s19] =	ssyncadd.s32 $0xFFFFF000  }
0x4d: {  	_ =	swait.ge [sflag:s8], $0x1000  }
0x4e: {  	[sflag:s8] =	ssyncset.done $0x0  }
0x4f: {  	[sflag:s8] =	ssyncadd.s32 $0xFFFFF000  }
0x50: {  	_ =	swait.ge [sflag:s8], $0x1000  }
0x51: {  	[sflag:s8] =	ssyncset.done $0x0  }
0x52: {  	[sflag:s8] =	ssyncadd.s32 $0xFFFFF000  }
0x53: {  	_ =	swait.ge [sflag:s8], $0x1000  }
0x54: {  	[sflag:s8] =	ssyncset.done $0x0  }
0x55: {  	[sflag:s8] =	ssyncadd.s32 $0xFFFFF000  }
0x56: {  	_ =	swait.ge [sflag:s8], $0x1000  }
0x57: {  	[sflag:s8] =	ssyncset.done $0x0  }
0x58: {  	s11 =	simm.s32 $0xE;
	[sflag:s8] =	ssyncadd.s32 $0xFFFFF000  }
0x59: {  	_ =	swait.ge [sflag:s11], $0x1000  }
0x5a: {  	[sflag:s11] =	ssyncset.done $0x0  }
0x5b: {  	[sflag:s11] =	ssyncadd.s32 $0xFFFFF000  }
0x5c: {  	_ =	swait.ge [sflag:s11], $0x1000  }
0x5d: {  	[sflag:s11] =	ssyncset.done $0x0  }
0x5e: {  	[sflag:s11] =	ssyncadd.s32 $0xFFFFF000  }
0x5f: {  	_ =	swait.ge [sflag:s11], $0x1000  }
0x60: {  	[sflag:s11] =	ssyncset.done $0x0  }
0x61: {  	[sflag:s11] =	ssyncadd.s32 $0xFFFFF000  }
0x62: {  	_ =	swait.ge [sflag:s11], $0x1000  }
0x63: {  	s12 =	sld [smem:$0x7F9];
	_ =	sdelay $0x2  }
0x64: {  	s20 =	rddreg [dreg:$0x1f];
	s12 =	sadd.s32 $0x1, s12  }
0x65: {  	p0 =	sne.s32 s12, s20  }
.Ltmp1:
0x66: {  	_ = 	snop;
	(pc) =	sbr.rel @!p0 .LBB2_7-.Ltmp1, $3  }
0x67: {  	_ =	sdelay $0x1  }
0x68: {  	[sflag:s11] =	ssyncset.done $0x0  }
0x69: {  	[sflag:s11] =	ssyncadd.s32 $0xFFFFF000  }
.LBB2_1:
0x6a: {  	[smem:$0x7F9] =	sst s12  }
0x6b: {  	s10 =	rddreg [dreg:$0x19]  }
0x6c: {  	s11 =	rddreg [dreg:$0x6]  }
0x6d: {  	s16 =	rddreg [dreg:$0x1a];
	s13 =	simm.s32 $0xF;
	s10 =	sshrl.u32 s10, $0x3  }
0x6e: {  	[spmem:s10@s5], [sflag:s16] =	dma.strided [hbm:s11@s31], $0x200, s6, $0x10   }
0x6f: {  	_ =	swait.ge [sflag:s13], $0x200  }
0x70: {  	s18 =	sld [smem:$0x7FA]  }
0x71: {  	[sflag:s13] =	ssyncset.done $0x0  }
0x72: {  	s17 =	rddreg [dreg:$0x7];
	[sflag:s13] =	ssyncadd.s32 $0xFFFFFE00  }
0x73: {  	[spmem:s18@s5], [sflag:s16] =	dma.strided [hbm:s17@s31], $0x200, s6, $0x10   }
0x74: {  	_ =	swait.ge [sflag:s13], $0x200  }
0x75: {  	s20 =	sld [smem:$0x7FB]  }
0x76: {  	[sflag:s13] =	ssyncset.done $0x0  }
0x77: {  	s19 =	rddreg [dreg:$0x8];
	[sflag:s13] =	ssyncadd.s32 $0xFFFFFE00  }
0x78: {  	[spmem:s20@s5], [sflag:s16] =	dma.strided [hbm:s19@s31], $0x200, s6, $0x10   }
0x79: {  	_ =	swait.ge [sflag:s13], $0x200  }
0x7a: {  	s14 =	sld [smem:$0x7FC]  }
0x7b: {  	[sflag:s13] =	ssyncset.done $0x0  }
0x7c: {  	s11 =	rddreg [dreg:$0x9];
	[sflag:s13] =	ssyncadd.s32 $0xFFFFFE00  }
0x7d: {  	[spmem:s14@s5], [sflag:s16] =	dma.strided [hbm:s11@s31], $0x200, s6, $0x10   }
0x7e: {  	_ =	swait.ge [sflag:s13], $0x200  }
0x7f: {  	[sflag:s13] =	ssyncset.done $0x0  }
0x80: {  	[sflag:s13] =	ssyncadd.s32 $0xFFFFFE00  }
0x81: {  	[bflag:$0x0] =	sbarrier.arrive $0xFFFF  }
0x82: {  	s15 =	rddreg [dreg:$0xa]  }
0x83: {  	s17 =	simm.s32 $0x200;
	s16 =	simm.s32 $0x1000;
	s18 =	sld [smem:$0x7FD]  }
0x84: {  	[tilespmem:s17], [sflag:$0x1] =	stream.strided.gather [hbm4b:s15+s16], $0x4000, s4, s16, $0x38;
	[tilespmem:$0x1C200] =	vst v63  }
0x85: {  	s19 =	simm.s32 $0x4200  }
0x86: {  	[tilespmem:s19], [sflag:$0x2] =	stream.strided.gather [hbm4b:s18+s16], $0x4000, s4, s16, $0x38;
	[tilespmem:$0x1C200] =	vst v63  }
0x87: {  	s20 =	simm.s32 $0x0;
	s12 =	rddreg [dreg:$0x1b]  }
0x88: {  	[tilespmem:s20], [sflag:$0xF] =	stream.linear.gather [hbm4b:s12+s20], $0x80, $0x38;
	[tilespmem:$0x1C200] =	vst v63  }
0x89: {  	_ =	swait.ge [sflag:s13], $0x80  }
0x8a: {  	[sflag:s13] =	ssyncset.done $0x0  }
0x8b: {  	s14 =	rddreg [dreg:$0x1c];
	[sflag:s13] =	ssyncadd.s32 $0xFFFFFF80  }
0x8c: {  	[tilespmem:s5], [sflag:$0xF] =	stream.linear.gather [hbm4b:s14+s20], $0x80, $0x38;
	[tilespmem:$0x1C200] =	vst v63  }
0x8d: {  	_ =	swait.ge [sflag:s13], $0x80  }
0x8e: {  	[sflag:s13] =	ssyncset.done $0x0  }
0x8f: {  	s16 =	simm.s32 $0x100;
	s15 =	rddreg [dreg:$0x1d];
	[sflag:s13] =	ssyncadd.s32 $0xFFFFFF80  }
0x90: {  	[tilespmem:s16], [sflag:$0xF] =	stream.linear.gather [hbm4b:s15+s20], $0x80, $0x38;
	[tilespmem:$0x1C200] =	vst v63  }
0x91: {  	_ =	swait.ge [sflag:s13], $0x80  }
0x92: {  	[sflag:s13] =	ssyncset.done $0x0  }
0x93: {  	s18 =	simm.s32 $0x180;
	s17 =	rddreg [dreg:$0x1e];
	[sflag:s13] =	ssyncadd.s32 $0xFFFFFF80  }
0x94: {  	[tilespmem:s18], [sflag:$0xF] =	stream.linear.gather [hbm4b:s17+s20], $0x80, $0x38;
	[tilespmem:$0x1C200] =	vst v63  }
0x95: {  	_ =	swait.ge [sflag:s13], $0x80  }
.Ltmp2:
0x96: {  	[sflag:s13] =	ssyncset.done $0x0;
	(pc) =	sbr.rel .LBB2_2-.Ltmp2, $4  }
0x97: {  	s10 =	simm.s32 $0x0;
	s19 =	simm.s32 $0x8200;
	[sflag:s13] =	ssyncadd.s32 $0xFFFFFF80  }
0x98: {  	[tilespmem:s19], [sflag:$0x7] =	stream.indirect.gather [spmem:s24], $0x80, s20, s5, $0xb8;
	[tilespmem:$0x1C200] =	vst v63  }
0x99: {  	s11 =	simm.s32 $0x80;
	s12 =	simm.s32 $0x0;
	s20 =	simm.s32 $0xC200  }
0x9a: {  	[tilespmem:s20], [sflag:$0x8] =	stream.indirect.gather [spmem:s24], $0x80, s5, s5, $0xb8;
	[tilespmem:$0x1C200] =	vst v63  }
.LBB2_4:
0x9b: {  	_ =	swait.ge [sflag:s8], $0x1000  }
0x9c: {  	[sflag:s8] =	ssyncset.done $0x0  }
0x9d: {  	[sflag:s8] =	ssyncadd.s32 $0xFFFFF000  }
0x9e: {  	_ =	swait.ge [sflag:s8], $0x1000  }
0x9f: {  	[sflag:s8] =	ssyncset.done $0x0  }
0xa0: {  	[sflag:s8] =	ssyncadd.s32 $0xFFFFF000  }
0xa1: {  	_ =	swait.ge [sflag:s8], $0x1000  }
0xa2: {  	[sflag:s8] =	ssyncset.done $0x0  }
0xa3: {  	[sflag:s8] =	ssyncadd.s32 $0xFFFFF000  }
0xa4: {  	_ =	swait.ge [sflag:s8], $0x1000  }
0xa5: {  	[sflag:s8] =	ssyncset.done $0x0  }
0xa6: {  	[sflag:s8] =	ssyncadd.s32 $0xFFFFF000  }
0xa7: {  	_ =	swait.ge [sflag:s9], $0x80  }
0xa8: {  	[sflag:s9] =	ssyncset.done $0x0  }
0xa9: {  	p1 =	por $0x0, $0x0;
	[sflag:s9] =	ssyncadd.s32 $0xFFFFFF80  }
.LBB2_5:
0xaa: {  	s18 =	simm.s32 $0x100  }
0xab: {  	[tilespmem:s28], [sflag:$0x9] =	stream.indirect.gather [spmem:s24], $0x80, s18, s5, $0xb8;
	[tilespmem:$0x1C200] =	vst v63  }
0xac: {  	s20 =	sadd.s32 s10, s25;
	s19 =	simm.s32 $0x8200  }
0xad: {  	[hbm4b:s20+s31] =	stream.strided.scatter [tilespmem:s19], [sflag:$0xB], $0x1000, s4, s31, $0x38;
	[tilespmem:$0x1C200] =	vst v63  }
0xae: {  	s19 =	sadd.s32 s10, s23;
	s20 =	simm.s32 $0x9200  }
0xaf: {  	[hbm4b:s19+s31] =	stream.strided.scatter [tilespmem:s20], [sflag:$0xB], $0x1000, s4, s31, $0x38;
	[tilespmem:$0x1C200] =	vst v63  }
0xb0: {  	s19 =	sadd.s32 s10, s22;
	s20 =	simm.s32 $0xA200  }
0xb1: {  	[hbm4b:s19+s31] =	stream.strided.scatter [tilespmem:s20], [sflag:$0xB], $0x1000, s4, s31, $0x38;
	[tilespmem:$0x1C200] =	vst v63  }
0xb2: {  	s19 =	rddreg [dreg:$0x18]  }
0xb3: {  	s20 =	simm.s32 $0xB200;
	s18 =	sadd.s32 s10, s19  }
0xb4: {  	[hbm4b:s18+s31] =	stream.strided.scatter [tilespmem:s20], [sflag:$0xB], $0x1000, s4, s31, $0x38;
	[tilespmem:$0x1C200] =	vst v63  }
0xb5: {  	s18 =	sadd.s32 @!p0 s21, s15  }
0xb6: {  	_ =	swait.ge [sflag:s6], $0x4000;
	s18 =	sor.u32 @!p0 s16, s18  }
0xb7: {  	[sflag:s6] =	ssyncset.done $0x0;
	s18 =	sshrl.u32 @!p0 s18, $0x3  }
0xb8: {  	[sflag:s6] =	ssyncadd.s32 $0xFFFFC000;
	s19 =	sadd.s32 @!p0 s26, s18;
	s18 =	simm.s32 @!p0 $0x80  }
0xb9: {  	[tilespmem:s18], [sflag:$0x4] =	stream.linear.gather @!p0 [hbm4b:s19+s17], $0x80, $0x38;
	[tilespmem:$0x1C200] =	vst v63  }
0xba: {  	s19 =	simm.s32 @!p1 $0xE  }
0xbb: {  	_ =	swait.ge @!p1 [sflag:s19], $0x1000  }
0xbc: {  	[sflag:s19] =	ssyncset.done @!p1 $0x0  }
0xbd: {  	[sflag:s19] =	ssyncadd.s32 @!p1 $0xFFFFF000  }
0xbe: {  	_ =	swait.ge @!p1 [sflag:s19], $0x1000  }
0xbf: {  	[sflag:s19] =	ssyncset.done @!p1 $0x0  }
0xc0: {  	[sflag:s19] =	ssyncadd.s32 @!p1 $0xFFFFF000  }
0xc1: {  	_ =	swait.ge @!p1 [sflag:s19], $0x1000  }
0xc2: {  	[sflag:s19] =	ssyncset.done @!p1 $0x0  }
0xc3: {  	[sflag:s19] =	ssyncadd.s32 @!p1 $0xFFFFF000  }
0xc4: {  	_ =	swait.ge @!p1 [sflag:s19], $0x1000  }
0xc5: {  	[sflag:s19] =	ssyncset.done @!p1 $0x0  }
0xc6: {  	[sflag:s19] =	ssyncadd.s32 @!p1 $0xFFFFF000;
	s19 =	simm.s32 @!p1 $0x6  }
0xc7: {  	_ =	swait.ge @!p1 [sflag:s19], $0x80  }
0xc8: {  	[sflag:s19] =	ssyncset.done @!p1 $0x0  }
0xc9: {  	s20 =	simm.s32 $0x180;
	[sflag:s19] =	ssyncadd.s32 @!p1 $0xFFFFFF80  }
0xca: {  	[tilespmem:s1], [sflag:$0xA] =	stream.indirect.gather [spmem:s24], $0x80, s20, s5, $0xb8;
	[tilespmem:$0x1C200] =	vst v63  }
0xcb: {  	s20 =	rddreg [dreg:$0x17]  }
0xcc: {  	s19 =	sadd.s32 s10, s20;
	s20 =	simm.s32 $0xC200  }
0xcd: {  	[hbm4b:s19+s31] =	stream.strided.scatter [tilespmem:s20], [sflag:$0xC], $0x1000, s4, s31, $0x38;
	[tilespmem:$0x1C200] =	vst v63  }
0xce: {  	s20 =	rddreg [dreg:$0x16]  }
0xcf: {  	s19 =	sadd.s32 s10, s20;
	s20 =	simm.s32 $0xD200  }
0xd0: {  	[hbm4b:s19+s31] =	stream.strided.scatter [tilespmem:s20], [sflag:$0xC], $0x1000, s4, s31, $0x38;
	[tilespmem:$0x1C200] =	vst v63  }
0xd1: {  	s20 =	rddreg [dreg:$0x15]  }
0xd2: {  	s19 =	sadd.s32 s10, s20;
	s20 =	simm.s32 $0xE200  }
0xd3: {  	[hbm4b:s19+s31] =	stream.strided.scatter [tilespmem:s20], [sflag:$0xC], $0x1000, s4, s31, $0x38;
	[tilespmem:$0x1C200] =	vst v63  }
0xd4: {  	s20 =	rddreg [dreg:$0x14]  }
0xd5: {  	s19 =	sadd.s32 s10, s20;
	s20 =	simm.s32 $0xF200  }
0xd6: {  	[hbm4b:s19+s31] =	stream.strided.scatter [tilespmem:s20], [sflag:$0xC], $0x1000, s4, s31, $0x38;
	[tilespmem:$0x1C200] =	vst v63  }
0xd7: {  	s19 =	sadd.s32 @!p0 s0, s15  }
0xd8: {  	_ =	swait.ge [sflag:s30], $0x4000;
	s19 =	sor.u32 @!p0 s16, s19  }
0xd9: {  	[sflag:s30] =	ssyncset.done $0x0;
	s19 =	sshrl.u32 @!p0 s19, $0x3  }
0xda: {  	s20 =	simm.s32 @!p0 $0x100;
	[sflag:s30] =	ssyncadd.s32 $0xFFFFC000;
	s19 =	sadd.s32 @!p0 s26, s19  }
0xdb: {  	[tilespmem:s20], [sflag:$0x5] =	stream.linear.gather @!p0 [hbm4b:s19+s17], $0x80, $0x38;
	[tilespmem:$0x1C200] =	vst v63  }
0xdc: {  	s19 =	simm.s32 @!p0 $0xB  }
0xdd: {  	_ =	swait.ge @!p0 [sflag:s19], $0x1000  }
0xde: {  	[sflag:s19] =	ssyncset.done @!p0 $0x0  }
0xdf: {  	[sflag:s19] =	ssyncadd.s32 @!p0 $0xFFFFF000  }
0xe0: {  	_ =	swait.ge @!p0 [sflag:s19], $0x1000  }
0xe1: {  	[sflag:s19] =	ssyncset.done @!p0 $0x0  }
0xe2: {  	[sflag:s19] =	ssyncadd.s32 @!p0 $0xFFFFF000  }
0xe3: {  	_ =	swait.ge @!p0 [sflag:s19], $0x1000  }
0xe4: {  	[sflag:s19] =	ssyncset.done @!p0 $0x0  }
0xe5: {  	[sflag:s19] =	ssyncadd.s32 @!p0 $0xFFFFF000  }
0xe6: {  	_ =	swait.ge @!p0 [sflag:s19], $0x1000  }
0xe7: {  	[sflag:s19] =	ssyncset.done @!p0 $0x0  }
0xe8: {  	[sflag:s19] =	ssyncadd.s32 @!p0 $0xFFFFF000;
	s19 =	simm.s32 @!p0 $0x3  }
0xe9: {  	_ =	swait.ge @!p0 [sflag:s19], $0x80  }
0xea: {  	[sflag:s19] =	ssyncset.done @!p0 $0x0  }
0xeb: {  	s20 =	rddreg [dreg:$0x13];
	[sflag:s19] =	ssyncadd.s32 @!p0 $0xFFFFFF80;
	s19 =	simm.s32 @!p0 $0x8200  }
0xec: {  	[tilespmem:s19], [sflag:$0x7] =	stream.indirect.gather @!p0 [spmem:s24], $0x80, s17, s18, $0xb8;
	[tilespmem:$0x1C200] =	vst v63  }
0xed: {  	s19 =	sadd.s32 s10, s20;
	s20 =	rddreg [dreg:$0x12]  }
0xee: {  	[hbm4b:s19+s31] =	stream.strided.scatter [tilespmem:s28], [sflag:$0xD], $0x1000, s4, s31, $0x38;
	[tilespmem:$0x1C200] =	vst v63  }
0xef: {  	s19 =	sadd.s32 s10, s20;
	s20 =	simm.s32 $0x11200  }
0xf0: {  	[hbm4b:s19+s31] =	stream.strided.scatter [tilespmem:s20], [sflag:$0xD], $0x1000, s4, s31, $0x38;
	[tilespmem:$0x1C200] =	vst v63  }
0xf1: {  	s20 =	rddreg [dreg:$0x11]  }
0xf2: {  	s19 =	sadd.s32 s10, s20;
	s20 =	simm.s32 $0x12200  }
0xf3: {  	[hbm4b:s19+s31] =	stream.strided.scatter [tilespmem:s20], [sflag:$0xD], $0x1000, s4, s31, $0x38;
	[tilespmem:$0x1C200] =	vst v63  }
0xf4: {  	s20 =	rddreg [dreg:$0x10]  }
0xf5: {  	s15 =	sadd.s32 @!p0 s2, s15;
	s19 =	sadd.s32 s10, s20;
	s20 =	simm.s32 $0x13200  }
0xf6: {  	[hbm4b:s19+s31] =	stream.strided.scatter [tilespmem:s20], [sflag:$0xD], $0x1000, s4, s31, $0x38;
	[tilespmem:$0x1C200] =	vst v63  }
0xf7: {  	s15 =	sor.u32 @!p0 s16, s15;
	_ =	swait.ge [sflag:s7], $0x4000  }
0xf8: {  	s15 =	sshrl.u32 @!p0 s15, $0x3;
	[sflag:s7] =	ssyncset.done $0x0  }
0xf9: {  	s16 =	simm.s32 @!p0 $0x180;
	s15 =	sadd.s32 @!p0 s26, s15;
	[sflag:s7] =	ssyncadd.s32 $0xFFFFC000  }
0xfa: {  	[tilespmem:s16], [sflag:$0x6] =	stream.linear.gather @!p0 [hbm4b:s15+s17], $0x80, $0x38;
	[tilespmem:$0x1C200] =	vst v63  }
0xfb: {  	s15 =	simm.s32 @!p0 $0xC  }
0xfc: {  	_ =	swait.ge @!p0 [sflag:s15], $0x1000  }
0xfd: {  	[sflag:s15] =	ssyncset.done @!p0 $0x0  }
0xfe: {  	[sflag:s15] =	ssyncadd.s32 @!p0 $0xFFFFF000  }
0xff: {  	_ =	swait.ge @!p0 [sflag:s15], $0x1000  }
0x100: {  	[sflag:s15] =	ssyncset.done @!p0 $0x0  }
0x101: {  	[sflag:s15] =	ssyncadd.s32 @!p0 $0xFFFFF000  }
0x102: {  	_ =	swait.ge @!p0 [sflag:s15], $0x1000  }
0x103: {  	[sflag:s15] =	ssyncset.done @!p0 $0x0  }
0x104: {  	[sflag:s15] =	ssyncadd.s32 @!p0 $0xFFFFF000  }
0x105: {  	_ =	swait.ge @!p0 [sflag:s15], $0x1000  }
0x106: {  	[sflag:s15] =	ssyncset.done @!p0 $0x0  }
0x107: {  	[sflag:s15] =	ssyncadd.s32 @!p0 $0xFFFFF000;
	s15 =	simm.s32 @!p0 $0x4  }
0x108: {  	_ =	swait.ge @!p0 [sflag:s15], $0x80  }
0x109: {  	[sflag:s15] =	ssyncset.done @!p0 $0x0  }
0x10a: {  	[sflag:s15] =	ssyncadd.s32 @!p0 $0xFFFFFF80;
	s15 =	simm.s32 @!p0 $0xC200  }
0x10b: {  	[tilespmem:s15], [sflag:$0x8] =	stream.indirect.gather @!p0 [spmem:s24], $0x80, s18, s18, $0xb8;
	[tilespmem:$0x1C200] =	vst v63  }
0x10c: {  	s18 =	rddreg [dreg:$0xf]  }
0x10d: {  	s19 =	rddreg [dreg:$0xe];
	s15 =	sadd.s32 s10, s18  }
0x10e: {  	[hbm4b:s15+s31] =	stream.strided.scatter [tilespmem:s1], [sflag:$0xE], $0x1000, s4, s31, $0x38;
	[tilespmem:$0x1C200] =	vst v63  }
0x10f: {  	s20 =	simm.s32 $0x15200;
	s17 =	rddreg [dreg:$0xd];
	s15 =	sadd.s32 s10, s19  }
0x110: {  	[hbm4b:s15+s31] =	stream.strided.scatter [tilespmem:s20], [sflag:$0xE], $0x1000, s4, s31, $0x38;
	[tilespmem:$0x1C200] =	vst v63  }
0x111: {  	s18 =	simm.s32 $0x16200;
	s19 =	rddreg [dreg:$0xc];
	s15 =	sadd.s32 s10, s17  }
0x112: {  	[hbm4b:s15+s31] =	stream.strided.scatter [tilespmem:s18], [sflag:$0xE], $0x1000, s4, s31, $0x38;
	[tilespmem:$0x1C200] =	vst v63  }
0x113: {  	p0 =	sgt.u32 s12, $0x5;
	s20 =	simm.s32 $0x17200;
	s15 =	sadd.s32 s10, s19  }
0x114: {  	[hbm4b:s15+s31] =	stream.strided.scatter [tilespmem:s20], [sflag:$0xE], $0x1000, s4, s31, $0x38;
	[tilespmem:$0x1C200] =	vst v63  }
0x115: {  	s16 =	simm.s32 @!p0 $0x1000;
	s15 =	rddreg [dreg:$0xb]  }
0x116: {  	s17 =	simm.s32 @!p0 $0x2000;
	s15 =	sadd.s32 @!p0 s10, s15;
	s10 =	sadd.s32 $0x1000, s10  }
0x117: {  	[tilespmem:s14], [sflag:s13] =	stream.strided.gather @!p0 [hbm4b:s15+s16], $0x4000, s17, s16, $0x38;
	[tilespmem:$0x1C200] =	vst v63  }
0x118: {  	p0 =	sne.s32 s10, $0x8000  }
.Ltmp3:
0x119: {  	_ = 	snop;
	(pc) =	sbr.rel @!p0 .LBB2_6-.Ltmp3, $2  }
0x11a: {  	_ =	sdelay $0x2  }
0x11b: {  	s11 =	sadd.s32 $0x80, s11;
	s12 =	sadd.s32 $0x1, s12  }
.LBB2_2:
0x11c: {  	s14 =	sand.u32 $0x1, s12  }
0x11d: {  	p0 =	seq.s32 s10, $0x7000;
	s13 =	sadd.s32 $0x1, s14  }
0x11e: {  	s15 =	sand.u32 @!p0 $0x400, s11;
	p1 =	seq.s32 @!p0 s10, $0x0;
	_ =	swait.ge [sflag:s13], $0x4000  }
0x11f: {  	s16 =	sand.u32 @!p0 $0x380, s11;
	p1 =	por p0, !p1;
	[sflag:s13] =	ssyncset.done $0x0  }
.Ltmp4:
0x120: {  	s17 =	sadd.s32 @!p0 s29, s15;
	[sflag:s13] =	ssyncadd.s32 $0xFFFFC000;
	(pc) =	sbr.rel @p1 .LBB2_4-.Ltmp4, $4  }
0x121: {  	s14 =	sshll.u32 s14, $0xE;
	s17 =	sor.u32 @!p0 s16, s17;
	_ =	swait.ge [sflag:s3], $0x4000  }
0x122: {  	s14 =	sor.u32 $0x200, s14;
	s17 =	sshrl.u32 @!p0 s17, $0x3;
	[sflag:s3] =	ssyncset.done $0x0  }
0x123: {  	s18 =	sadd.s32 @!p0 s26, s17;
	s17 =	simm.s32 @!p0 $0x0;
	[sflag:s3] =	ssyncadd.s32 $0xFFFFC000  }
0x124: {  	[tilespmem:s17], [sflag:$0x3] =	stream.linear.gather @!p0 [hbm4b:s18+s17], $0x80, $0x38;
	[tilespmem:$0x1C200] =	vst v63  }
.Ltmp5:
0x125: {  	(pc) =	sbr.rel .LBB2_5-.Ltmp5, $2  }
0x126: {  	_ =	sdelay $0x2  }
0x127: {  	p1 =	por @!p0 $0x1, $0x1  }
.LBB2_7:
0x128: {  	_ =	sfence.sel $0x180000  }
0x129: {  	[bflag:$0x0] =	sbarrier.arrive $0xFFFF  }
0x12a: {  	_ =	strace $0x90000047  }
0x12b: {  	s0 =	stileid.u32;
	[bflag:$0x2] =	sbarrier.arrive $0xFFFF  }
0x12c: {  	p0 =	sne.s32 s0, $0x0;
	s0 =	rddreg [dreg:$0x5]  }
0x12d: {  	s0 =	sadd.s32 @!p0 $0x100000, s0  }
0x12e: {  	[sflag:s0] =	ssyncadd.tile.s32 @!p0 $0x1;
	_ =	shalt  }
.Lfunc_end2:
_tile_overlayer_lowered:
.L_overlay_start_2:
0x12f: {  	(tag) =	ssettag $0x2  }
0x130: {  	s0 =	rddreg [dreg:$0x0];
	s2 =	stileid.u32  }
0x131: {  	s1 =	rddreg [dreg:$0x1];
	p0 =	sne.s32 s2, $0x0  }
0x132: {  	s3 =	rddreg [dreg:$0x2];
	[bflag:$0x3] =	sbarrier.arrive $0xFFFF;
	s2 =	simm.s32 @!p0 $0x1C0F  }
0x133: {  	[timem:s3], [sflag:s2] =	dma.local @!p0 [hbm:s0], s1  }
0x134: {  	s0 =	simm.s32 @!p0 $0xF  }
0x135: {  	_ =	swait.ge @!p0 [sflag:s0], s1  }
0x136: {  	s1 =	ssub.s32 @!p0 $0x0, s1;
	[sflag:s0] =	ssyncset.done @!p0 $0x0  }
0x137: {  	[sflag:s0] =	ssyncadd.s32 @!p0 s1  }
0x138: {  	[bflag:$0x3] =	sbarrier.arrive $0xFFFF  }
0x139: {  	_ =	shalt  }

</sc_bundles>
